<compile_context>
chip_gen: v7x
topology: tpu7x:2x2x1
jax: 0.10.2.dev20260603
libtpu: 0.0.44.dev20260713+nightly
codegen_flags: <defaults>
</compile_context>

<pallas_src>
import jax
import jax.numpy as jnp
from jax import lax
from jax.experimental import pallas as pl
from jax.experimental.pallas import tpu as pltpu
from jax.experimental.pallas import tpu_sc as plsc

N = 10000
D = 128
E = 320000

NC = 2
NS = 16
NW = NC * NS
NPAD = 10240
RPT = NPAD // NS
EPT = E // NW
CHUNK = 128
NCH = 79
EPTP = NCH * CHUNK
DEGW = 16

BR = 1280
GRID = NPAD // BR

_mesh = plsc.VectorSubcoreMesh(core_axis_name="c", subcore_axis_name="s",
                               num_cores=NC, num_subcores=NS)


_AGG_KERNEL_ARGS = dict(
    out_type=jax.ShapeDtypeStruct((NC, NPAD, D), jnp.float32),
    mesh=_mesh,
    scratch_types=[
        pltpu.VMEM((NCH, CHUNK), jnp.int32),
        pltpu.VMEM((NCH, CHUNK), jnp.int32),
        pltpu.VMEM((CHUNK, D), jnp.float32),
        pltpu.VMEM_SHARED((NPAD, D), jnp.float32),
        pltpu.SemaphoreType.DMA,
    ],
)


def _agg_body(msg, srcs, dsts, zd_h, part, si, di, rows, acc, gsem):
    c = lax.axis_index("c")
    s = lax.axis_index("s")
    wid = s * NC + c
    rs = pl.ds(s * RPT, RPT)
    pltpu.sync_copy(zd_h.at[rs], acc.at[rs])
    pltpu.sync_copy(srcs.at[wid], si)
    pltpu.sync_copy(dsts.at[wid], di)
    plsc.subcore_barrier()

    def body(j, carry):
        pltpu.async_copy(msg.at[si.at[j]], rows, gsem).wait()
        pltpu.sync_copy(rows, acc.at[di.at[j]], add=True)
        return carry

    lax.fori_loop(0, NCH, body, 0)
    plsc.subcore_barrier()
    pltpu.sync_copy(acc.at[rs], part.at[c, rs])


_agg_kernel = pl.kernel(_agg_body, **_AGG_KERNEL_ARGS)


def _prep_body(do0, do1, di0, di1, f, w, ns_o, nd_o, msg_o):
    ns = lax.rsqrt(do0[:, 0:1] + do1[:, 0:1] + 1.0)
    nd = lax.rsqrt(di0[:, 0:1] + di1[:, 0:1] + 1.0)
    wide = jnp.ones((1, DEGW), jnp.float32)
    ns_o[...] = ns * wide
    nd_o[...] = nd * wide
    msg_o[...] = jnp.dot(f[...] * ns, w[...],
                         preferred_element_type=jnp.float32)


def _mid_body(p0, p1, msg, nd, ns, b, w, jk_in, jk_o, msg_o):
    agg = p0[...] + p1[...] + msg[...]
    h = jnp.maximum(agg * nd[:, 0:1] + b[...], 0.0)
    jk_o[...] = jnp.maximum(jk_in[...], h)
    msg_o[...] = jnp.dot(h * ns[:, 0:1], w[...],
                         preferred_element_type=jnp.float32)


def _fin_body(p0, p1, msg, nd, b, jk_in, jk_o):
    agg = p0[...] + p1[...] + msg[...]
    h = jnp.maximum(agg * nd[:, 0:1] + b[...], 0.0)
    jk_o[...] = jnp.maximum(jk_in[...], h)


def _rb(width):
    return pl.BlockSpec((BR, width), lambda i: (i, 0))


_FULL_W = pl.BlockSpec((D, D), lambda i: (0, 0))
_FULL_B = pl.BlockSpec((1, D), lambda i: (0, 0))

_prep = pl.pallas_call(
    _prep_body,
    grid=(GRID,),
    in_specs=[_rb(D), _rb(D), _rb(D), _rb(D), _rb(D), _FULL_W],
    out_specs=[_rb(DEGW), _rb(DEGW), _rb(D)],
    out_shape=(
        jax.ShapeDtypeStruct((NPAD, DEGW), jnp.float32),
        jax.ShapeDtypeStruct((NPAD, DEGW), jnp.float32),
        jax.ShapeDtypeStruct((NPAD, D), jnp.float32),
    ),
)

_mid = pl.pallas_call(
    _mid_body,
    grid=(GRID,),
    in_specs=[_rb(D), _rb(D), _rb(D), _rb(DEGW), _rb(DEGW), _FULL_B, _FULL_W,
              _rb(D)],
    out_specs=[_rb(D), _rb(D)],
    out_shape=(
        jax.ShapeDtypeStruct((NPAD, D), jnp.float32),
        jax.ShapeDtypeStruct((NPAD, D), jnp.float32),
    ),
)

_fin = pl.pallas_call(
    _fin_body,
    grid=(GRID,),
    in_specs=[_rb(D), _rb(D), _rb(D), _rb(DEGW), _FULL_B, _rb(D)],
    out_specs=_rb(D),
    out_shape=jax.ShapeDtypeStruct((NPAD, D), jnp.float32),
)


def kernel(features, edge_index, W1, b1, W2, b2, W3, b3):
    ei = edge_index.astype(jnp.int32)
    pad_d = jnp.broadcast_to(N + jnp.arange(EPTP - EPT, dtype=jnp.int32),
                             (NW, EPTP - EPT))
    pad_s = pad_d
    srcs = jnp.concatenate([ei[0].reshape(NW, EPT), pad_s], axis=1)
    srcs = srcs.reshape(NW, NCH, CHUNK)
    dsts = jnp.concatenate([ei[1].reshape(NW, EPT), pad_d], axis=1)
    dsts = dsts.reshape(NW, NCH, CHUNK)

    feats = jnp.pad(features, ((0, NPAD - N), (0, 0)))
    zd = jnp.zeros((NPAD, D), jnp.float32)
    ones_t = jnp.ones((NPAD, D), jnp.float32)
    b1r = b1.reshape(1, D)
    b2r = b2.reshape(1, D)
    b3r = b3.reshape(1, D)

    deg_o = _agg_kernel(ones_t, srcs, srcs, zd)
    deg_i = _agg_kernel(ones_t, dsts, dsts, zd)
    ns, nd, msg1 = _prep(deg_o[0], deg_o[1], deg_i[0], deg_i[1], feats, W1)

    part1 = _agg_kernel(msg1, srcs, dsts, zd)
    jk1, msg2 = _mid(part1[0], part1[1], msg1, nd, ns, b1r, W2, zd)

    part2 = _agg_kernel(msg2, srcs, dsts, zd)
    jk2, msg3 = _mid(part2[0], part2[1], msg2, nd, ns, b2r, W3, jk1)

    part3 = _agg_kernel(msg3, srcs, dsts, zd)
    out = _fin(part3[0], part3[1], msg3, nd, b3r, jk2)
    return out[:N]

# --- scband reference (transcript-rebuilt; emitter-appended) ---
"""Pipeline reference for scband-jk-cflp-60988535603568 (READ-ONLY COPY).

The authoritative reference and input builder live on the scoring server;
editing this copy changes nothing except your own understanding.
"""

import jax, jax.numpy as jnp
import numpy as np

N = 10000
E = 320000
D = 128


def setup_inputs(seed: int = 0) -> dict:
    key = jax.random.key(seed)
    ks = jax.random.split(key, 8)
    features = jax.random.normal(ks[0], (N, D), dtype=jnp.float32)
    edge_index = jax.random.randint(ks[1], (2, E), 0, N)
    scale = 1.0 / np.sqrt(D)
    W1 = jax.random.normal(ks[2], (D, D), dtype=jnp.float32) * scale
    b1 = jnp.zeros((D,), dtype=jnp.float32)
    W2 = jax.random.normal(ks[3], (D, D), dtype=jnp.float32) * scale
    b2 = jnp.zeros((D,), dtype=jnp.float32)
    W3 = jax.random.normal(ks[4], (D, D), dtype=jnp.float32) * scale
    b3 = jnp.zeros((D,), dtype=jnp.float32)
    return {"features": features, "edge_index": edge_index,
            "W1": W1, "b1": b1, "W2": W2, "b2": b2, "W3": W3, "b3": b3}


def reference(features, edge_index, W1, b1, W2, b2, W3, b3):
    n = features.shape[0]
    # dgl.add_self_loop
    loop = jnp.arange(n, dtype=edge_index.dtype)
    src = jnp.concatenate([edge_index[0], loop])
    dst = jnp.concatenate([edge_index[1], loop])
    ones = jnp.ones(src.shape[0], dtype=jnp.float32)
    deg_out = jax.ops.segment_sum(ones, src, num_segments=n)
    deg_in = jax.ops.segment_sum(ones, dst, num_segments=n)
    norm_src = jnp.where(deg_out > 0, deg_out ** -0.5, 0.0)
    norm_dst = jnp.where(deg_in > 0, deg_in ** -0.5, 0.0)

    def graph_conv(h, W, b):
        # DGL GraphConv, norm='both': D_out^{-1/2} A^T D_in^{-1/2} semantics
        h = h * norm_src[:, None]
        h = h @ W
        msg = h[src]
        agg = jax.ops.segment_sum(msg, dst, num_segments=n)
        out = agg * norm_dst[:, None] + b
        return jax.nn.relu(out)

    h1 = graph_conv(features, W1, b1)
    h2 = graph_conv(h1, W2, b2)
    h3 = graph_conv(h2, W3, b3)
    # JumpingKnowledge mode='max': elementwise max across layer outputs
    out = jnp.max(jnp.stack([h1, h2, h3], axis=0), axis=0)
    return out

if __name__ == "__main__":
    import jax
    _d = setup_inputs()
    print(jax.jit(kernel)(*tuple(_d.values())))

</pallas_src>

<mosaic_0001>
#map = affine_map<(d0, d1) -> (0, 0)>
#map1 = affine_map<(d0, d1) -> (0, 0, 0)>
module attributes {stable_mosaic.version = 14 : i64} {
  func.func @_agg_body(%arg0: i32, %arg1: i32, %arg2: memref<10240x128xf32, #tpu.memory_space<hbm>>, %arg3: memref<32x79x128xi32, #tpu.memory_space<hbm>>, %arg4: memref<32x79x128xi32, #tpu.memory_space<hbm>>, %arg5: memref<10240x128xf32, #tpu.memory_space<hbm>>, %arg6: memref<2x10240x128xf32, #tpu.memory_space<hbm>>, %arg7: memref<79x128xi32, #tpu.memory_space<vmem>>, %arg8: memref<79x128xi32, #tpu.memory_space<vmem>>, %arg9: memref<128x128xf32, #tpu.memory_space<vmem>>, %arg10: memref<10240x128xf32, #tpu.memory_space<vmem_shared>>, %arg11: memref<!tpu.dma_semaphore, #tpu.memory_space<semaphore_mem>>) attributes {dimension_semantics = [#tpu.dimension_semantics<core_parallel>, #tpu.dimension_semantics<subcore_parallel>], iteration_bounds = array<i64: 2, 16>, scalar_prefetch = 0 : i64, scratch_operands = 5 : i64, tpu.core_type = #tpu.core_type<sc_vector_subcore>, window_params = [{transform_indices = #map}, {transform_indices = #map1}, {transform_indices = #map1}, {transform_indices = #map}, {transform_indices = #map1}]} {
    %mul3A = arith.constant 2 : i32
    %mul3A_0 = arith.muli %arg1, %mul3A : i32
    %add3A = arith.addi %mul3A_0, %arg0 : i32
    %mul3A_1 = arith.constant 640 : i32
    %mul3A_2 = arith.muli %arg1, %mul3A_1 : i32
    "tpu.region"() ({
      %run_scoped3A = tpu.sem_alloc : memref<!tpu.dma_semaphore, #tpu.memory_space<semaphore_mem>>
      %dma_start3A = arith.constant 0 : i32
      %dma_start3A_9 = tpu.memref_slice %arg10[%mul3A_2, %dma_start3A] : memref<10240x128xf32, #tpu.memory_space<vmem_shared>> -> memref<640x128xf32, #tpu.memory_space<vmem_shared>>
      %dma_start3A_10 = arith.constant 0 : i32
      %dma_start3A_11 = tpu.memref_slice %arg5[%mul3A_2, %dma_start3A_10] : memref<10240x128xf32, #tpu.memory_space<hbm>> -> memref<640x128xf32, #tpu.memory_space<hbm>>
      tpu.enqueue_dma source(%dma_start3A_11 : memref<640x128xf32, #tpu.memory_space<hbm>>) target(%dma_start3A_9 : memref<640x128xf32, #tpu.memory_space<vmem_shared>>) target_semaphore(%run_scoped3A : memref<!tpu.dma_semaphore, #tpu.memory_space<semaphore_mem>>)
      %dma_wait3A = arith.constant 0 : i32
      %dma_wait3A_12 = tpu.memref_slice %arg10[%mul3A_2, %dma_wait3A] : memref<10240x128xf32, #tpu.memory_space<vmem_shared>> -> memref<640x128xf32, #tpu.memory_space<vmem_shared>>
      %dma_wait3A_13 = arith.constant 0 : i32
      %dma_wait3A_14 = tpu.memref_slice %arg5[%mul3A_2, %dma_wait3A_13] : memref<10240x128xf32, #tpu.memory_space<hbm>> -> memref<640x128xf32, #tpu.memory_space<hbm>>
      tpu.wait_dma2 semaphore(%run_scoped3A : memref<!tpu.dma_semaphore, #tpu.memory_space<semaphore_mem>>) src(%dma_wait3A_14 : memref<640x128xf32, #tpu.memory_space<hbm>>) dst(%dma_wait3A_12 : memref<640x128xf32, #tpu.memory_space<vmem_shared>>)
      tpu.yield
    }) : () -> ()
    "tpu.region"() ({
      %run_scoped3A = tpu.sem_alloc : memref<!tpu.dma_semaphore, #tpu.memory_space<semaphore_mem>>
      %dma_start3A = arith.constant 0 : i32
      %dma_start3A_9 = arith.constant 0 : i32
      %dma_start3A_10 = tpu.memref_slice %arg3[%add3A, %dma_start3A, %dma_start3A_9] : memref<32x79x128xi32, #tpu.memory_space<hbm>> -> memref<1x79x128xi32, #tpu.memory_space<hbm>>
      %dma_start3A_11 = tpu.memref_squeeze %dma_start3A_10 : memref<1x79x128xi32, #tpu.memory_space<hbm>> -> memref<79x128xi32, #tpu.memory_space<hbm>>
      %dma_start3A_12 = arith.constant 0 : i32
      %dma_start3A_13 = arith.constant 0 : i32
      %dma_start3A_14 = tpu.memref_slice %arg3[%add3A, %dma_start3A_12, %dma_start3A_13] : memref<32x79x128xi32, #tpu.memory_space<hbm>> -> memref<1x79x128xi32, #tpu.memory_space<hbm>>
      %dma_start3A_15 = tpu.memref_squeeze %dma_start3A_14 : memref<1x79x128xi32, #tpu.memory_space<hbm>> -> memref<79x128xi32, #tpu.memory_space<hbm>>
      tpu.enqueue_dma source(%dma_start3A_15 : memref<79x128xi32, #tpu.memory_space<hbm>>) target(%arg7 : memref<79x128xi32, #tpu.memory_space<vmem>>) target_semaphore(%run_scoped3A : memref<!tpu.dma_semaphore, #tpu.memory_space<semaphore_mem>>)
      %dma_wait3A = arith.constant 0 : i32
      %dma_wait3A_16 = arith.constant 0 : i32
      %dma_wait3A_17 = tpu.memref_slice %arg3[%add3A, %dma_wait3A, %dma_wait3A_16] : memref<32x79x128xi32, #tpu.memory_space<hbm>> -> memref<1x79x128xi32, #tpu.memory_space<hbm>>
      %dma_wait3A_18 = tpu.memref_squeeze %dma_wait3A_17 : memref<1x79x128xi32, #tpu.memory_space<hbm>> -> memref<79x128xi32, #tpu.memory_space<hbm>>
      %dma_wait3A_19 = arith.constant 0 : i32
      %dma_wait3A_20 = arith.constant 0 : i32
      %dma_wait3A_21 = tpu.memref_slice %arg3[%add3A, %dma_wait3A_19, %dma_wait3A_20] : memref<32x79x128xi32, #tpu.memory_space<hbm>> -> memref<1x79x128xi32, #tpu.memory_space<hbm>>
      %dma_wait3A_22 = tpu.memref_squeeze %dma_wait3A_21 : memref<1x79x128xi32, #tpu.memory_space<hbm>> -> memref<79x128xi32, #tpu.memory_space<hbm>>
      tpu.wait_dma2 semaphore(%run_scoped3A : memref<!tpu.dma_semaphore, #tpu.memory_space<semaphore_mem>>) src(%dma_wait3A_22 : memref<79x128xi32, #tpu.memory_space<hbm>>) dst(%arg7 : memref<79x128xi32, #tpu.memory_space<vmem>>)
      tpu.yield
    }) : () -> ()
    "tpu.region"() ({
      %run_scoped3A = tpu.sem_alloc : memref<!tpu.dma_semaphore, #tpu.memory_space<semaphore_mem>>
      %dma_start3A = arith.constant 0 : i32
      %dma_start3A_9 = arith.constant 0 : i32
      %dma_start3A_10 = tpu.memref_slice %arg4[%add3A, %dma_start3A, %dma_start3A_9] : memref<32x79x128xi32, #tpu.memory_space<hbm>> -> memref<1x79x128xi32, #tpu.memory_space<hbm>>
      %dma_start3A_11 = tpu.memref_squeeze %dma_start3A_10 : memref<1x79x128xi32, #tpu.memory_space<hbm>> -> memref<79x128xi32, #tpu.memory_space<hbm>>
      %dma_start3A_12 = arith.constant 0 : i32
      %dma_start3A_13 = arith.constant 0 : i32
      %dma_start3A_14 = tpu.memref_slice %arg4[%add3A, %dma_start3A_12, %dma_start3A_13] : memref<32x79x128xi32, #tpu.memory_space<hbm>> -> memref<1x79x128xi32, #tpu.memory_space<hbm>>
      %dma_start3A_15 = tpu.memref_squeeze %dma_start3A_14 : memref<1x79x128xi32, #tpu.memory_space<hbm>> -> memref<79x128xi32, #tpu.memory_space<hbm>>
      tpu.enqueue_dma source(%dma_start3A_15 : memref<79x128xi32, #tpu.memory_space<hbm>>) target(%arg8 : memref<79x128xi32, #tpu.memory_space<vmem>>) target_semaphore(%run_scoped3A : memref<!tpu.dma_semaphore, #tpu.memory_space<semaphore_mem>>)
      %dma_wait3A = arith.constant 0 : i32
      %dma_wait3A_16 = arith.constant 0 : i32
      %dma_wait3A_17 = tpu.memref_slice %arg4[%add3A, %dma_wait3A, %dma_wait3A_16] : memref<32x79x128xi32, #tpu.memory_space<hbm>> -> memref<1x79x128xi32, #tpu.memory_space<hbm>>
      %dma_wait3A_18 = tpu.memref_squeeze %dma_wait3A_17 : memref<1x79x128xi32, #tpu.memory_space<hbm>> -> memref<79x128xi32, #tpu.memory_space<hbm>>
      %dma_wait3A_19 = arith.constant 0 : i32
      %dma_wait3A_20 = arith.constant 0 : i32
      %dma_wait3A_21 = tpu.memref_slice %arg4[%add3A, %dma_wait3A_19, %dma_wait3A_20] : memref<32x79x128xi32, #tpu.memory_space<hbm>> -> memref<1x79x128xi32, #tpu.memory_space<hbm>>
      %dma_wait3A_22 = tpu.memref_squeeze %dma_wait3A_21 : memref<1x79x128xi32, #tpu.memory_space<hbm>> -> memref<79x128xi32, #tpu.memory_space<hbm>>
      tpu.wait_dma2 semaphore(%run_scoped3A : memref<!tpu.dma_semaphore, #tpu.memory_space<semaphore_mem>>) src(%dma_wait3A_22 : memref<79x128xi32, #tpu.memory_space<hbm>>) dst(%arg8 : memref<79x128xi32, #tpu.memory_space<vmem>>)
      tpu.yield
    }) : () -> ()
    %barrier3A = arith.constant 0 : index
    tpu.barrier barrier_id(%barrier3A)
    %scan3A = arith.constant 0 : i32
    %scan3A_3 = arith.constant 0 : i32
    %scan3A_4 = arith.constant 79 : i32
    %scan3A_5 = arith.addi %scan3A_3, %scan3A_4 : i32
    %scan3A_6 = arith.constant 1 : i32
    scf.for %scan3A_9 = %scan3A_3 to %scan3A_5 step %scan3A_6  : i32 {
      %dma_start3A = arith.constant 0 : i32
      %dma_start3A_10 = tpu.memref_slice %arg7[%scan3A_9, %dma_start3A] : memref<79x128xi32, #tpu.memory_space<vmem>> -> memref<1x128xi32, #tpu.memory_space<vmem>>
      %dma_start3A_11 = tpu.memref_squeeze %dma_start3A_10 : memref<1x128xi32, #tpu.memory_space<vmem>> -> memref<128xi32, #tpu.memory_space<vmem>>
      %dma_start3A_12 = arith.constant 0 : i32
      %dma_start3A_13 = arith.constant 0 : i32
      %dma_start3A_14 = tpu.memref_slice %arg2[%dma_start3A_12, %dma_start3A_13] : memref<10240x128xf32, #tpu.memory_space<hbm>> -> memref<10240x128xf32, #tpu.memory_space<hbm>>
      tpu.enqueue_indirect_dma source(%dma_start3A_14 : memref<10240x128xf32, #tpu.memory_space<hbm>>) target(%arg9 : memref<128x128xf32, #tpu.memory_space<vmem>>) offsets(%dma_start3A_11 : memref<128xi32, #tpu.memory_space<vmem>>) semaphore(%arg11 : memref<!tpu.dma_semaphore, #tpu.memory_space<semaphore_mem>>)
      %dma_wait3A = arith.constant 0 : i32
      %dma_wait3A_15 = tpu.memref_slice %arg7[%scan3A_9, %dma_wait3A] : memref<79x128xi32, #tpu.memory_space<vmem>> -> memref<1x128xi32, #tpu.memory_space<vmem>>
      %dma_wait3A_16 = tpu.memref_squeeze %dma_wait3A_15 : memref<1x128xi32, #tpu.memory_space<vmem>> -> memref<128xi32, #tpu.memory_space<vmem>>
      %dma_wait3A_17 = arith.constant 0 : i32
      %dma_wait3A_18 = arith.constant 0 : i32
      %dma_wait3A_19 = tpu.memref_slice %arg2[%dma_wait3A_17, %dma_wait3A_18] : memref<10240x128xf32, #tpu.memory_space<hbm>> -> memref<10240x128xf32, #tpu.memory_space<hbm>>
      tpu.wait_indirect_dma semaphore(%arg11 : memref<!tpu.dma_semaphore, #tpu.memory_space<semaphore_mem>>) src(%dma_wait3A_19 : memref<10240x128xf32, #tpu.memory_space<hbm>>) dst(%arg9 : memref<128x128xf32, #tpu.memory_space<vmem>>)
      "tpu.region"() ({
        %run_scoped3A = tpu.sem_alloc : memref<!tpu.dma_semaphore, #tpu.memory_space<semaphore_mem>>
        %dma_start3A_20 = arith.constant 0 : i32
        %dma_start3A_21 = tpu.memref_slice %arg8[%scan3A_9, %dma_start3A_20] : memref<79x128xi32, #tpu.memory_space<vmem>> -> memref<1x128xi32, #tpu.memory_space<vmem>>
        %dma_start3A_22 = tpu.memref_squeeze %dma_start3A_21 : memref<1x128xi32, #tpu.memory_space<vmem>> -> memref<128xi32, #tpu.memory_space<vmem>>
        %dma_start3A_23 = arith.constant 0 : i32
        %dma_start3A_24 = arith.constant 0 : i32
        %dma_start3A_25 = tpu.memref_slice %arg10[%dma_start3A_23, %dma_start3A_24] : memref<10240x128xf32, #tpu.memory_space<vmem_shared>> -> memref<10240x128xf32, #tpu.memory_space<vmem_shared>>
        tpu.enqueue_indirect_dma source(%arg9 : memref<128x128xf32, #tpu.memory_space<vmem>>) target(%dma_start3A_25 : memref<10240x128xf32, #tpu.memory_space<vmem_shared>>) offsets(%dma_start3A_22 : memref<128xi32, #tpu.memory_space<vmem>>) semaphore(%run_scoped3A : memref<!tpu.dma_semaphore, #tpu.memory_space<semaphore_mem>>) {add = true}
        %dma_wait3A_26 = arith.constant 0 : i32
        %dma_wait3A_27 = tpu.memref_slice %arg8[%scan3A_9, %dma_wait3A_26] : memref<79x128xi32, #tpu.memory_space<vmem>> -> memref<1x128xi32, #tpu.memory_space<vmem>>
        %dma_wait3A_28 = tpu.memref_squeeze %dma_wait3A_27 : memref<1x128xi32, #tpu.memory_space<vmem>> -> memref<128xi32, #tpu.memory_space<vmem>>
        %dma_wait3A_29 = arith.constant 0 : i32
        %dma_wait3A_30 = arith.constant 0 : i32
        %dma_wait3A_31 = tpu.memref_slice %arg10[%dma_wait3A_29, %dma_wait3A_30] : memref<10240x128xf32, #tpu.memory_space<vmem_shared>> -> memref<10240x128xf32, #tpu.memory_space<vmem_shared>>
        tpu.wait_indirect_dma semaphore(%run_scoped3A : memref<!tpu.dma_semaphore, #tpu.memory_space<semaphore_mem>>) src(%arg9 : memref<128x128xf32, #tpu.memory_space<vmem>>) dst(%dma_wait3A_31 : memref<10240x128xf32, #tpu.memory_space<vmem_shared>>)
        tpu.yield
      }) : () -> ()
    }
    %scan3A_7 = arith.constant 79 : i32
    %barrier3A_8 = arith.constant 0 : index
    tpu.barrier barrier_id(%barrier3A_8)
    "tpu.region"() ({
      %run_scoped3A = tpu.sem_alloc : memref<!tpu.dma_semaphore, #tpu.memory_space<semaphore_mem>>
      %dma_start3A = arith.constant 0 : i32
      %dma_start3A_9 = tpu.memref_slice %arg6[%arg0, %mul3A_2, %dma_start3A] : memref<2x10240x128xf32, #tpu.memory_space<hbm>> -> memref<1x640x128xf32, #tpu.memory_space<hbm>>
      %dma_start3A_10 = tpu.memref_squeeze %dma_start3A_9 : memref<1x640x128xf32, #tpu.memory_space<hbm>> -> memref<640x128xf32, #tpu.memory_space<hbm>>
      %dma_start3A_11 = arith.constant 0 : i32
      %dma_start3A_12 = tpu.memref_slice %arg10[%mul3A_2, %dma_start3A_11] : memref<10240x128xf32, #tpu.memory_space<vmem_shared>> -> memref<640x128xf32, #tpu.memory_space<vmem_shared>>
      tpu.enqueue_dma source(%dma_start3A_12 : memref<640x128xf32, #tpu.memory_space<vmem_shared>>) target(%dma_start3A_10 : memref<640x128xf32, #tpu.memory_space<hbm>>) target_semaphore(%run_scoped3A : memref<!tpu.dma_semaphore, #tpu.memory_space<semaphore_mem>>)
      %dma_wait3A = arith.constant 0 : i32
      %dma_wait3A_13 = tpu.memref_slice %arg6[%arg0, %mul3A_2, %dma_wait3A] : memref<2x10240x128xf32, #tpu.memory_space<hbm>> -> memref<1x640x128xf32, #tpu.memory_space<hbm>>
      %dma_wait3A_14 = tpu.memref_squeeze %dma_wait3A_13 : memref<1x640x128xf32, #tpu.memory_space<hbm>> -> memref<640x128xf32, #tpu.memory_space<hbm>>
      %dma_wait3A_15 = arith.constant 0 : i32
      %dma_wait3A_16 = tpu.memref_slice %arg10[%mul3A_2, %dma_wait3A_15] : memref<10240x128xf32, #tpu.memory_space<vmem_shared>> -> memref<640x128xf32, #tpu.memory_space<vmem_shared>>
      tpu.wait_dma2 semaphore(%run_scoped3A : memref<!tpu.dma_semaphore, #tpu.memory_space<semaphore_mem>>) src(%dma_wait3A_16 : memref<640x128xf32, #tpu.memory_space<vmem_shared>>) dst(%dma_wait3A_14 : memref<640x128xf32, #tpu.memory_space<hbm>>)
      tpu.yield
    }) : () -> ()
    return
  }
}

#map = affine_map<(d0, d1) -> (0, 0)>
#map1 = affine_map<(d0, d1) -> (0, 0, 0)>
module attributes {stable_mosaic.version = 14 : i64} {
  func.func @_agg_body(%arg0: i32, %arg1: i32, %arg2: memref<10240x128xf32, #tpu.memory_space<hbm>>, %arg3: memref<32x79x128xi32, #tpu.memory_space<hbm>>, %arg4: memref<32x79x128xi32, #tpu.memory_space<hbm>>, %arg5: memref<10240x128xf32, #tpu.memory_space<hbm>>, %arg6: memref<2x10240x128xf32, #tpu.memory_space<hbm>>, %arg7: memref<79x128xi32, #tpu.memory_space<vmem>>, %arg8: memref<79x128xi32, #tpu.memory_space<vmem>>, %arg9: memref<128x128xf32, #tpu.memory_space<vmem>>, %arg10: memref<10240x128xf32, #tpu.memory_space<vmem_shared>>, %arg11: memref<!tpu.dma_semaphore, #tpu.memory_space<semaphore_mem>>) attributes {dimension_semantics = [#tpu.dimension_semantics<core_parallel>, #tpu.dimension_semantics<subcore_parallel>], iteration_bounds = array<i64: 2, 16>, scalar_prefetch = 0 : i64, scratch_operands = 5 : i64, tpu.core_type = #tpu.core_type<sc_vector_subcore>, window_params = [{transform_indices = #map}, {transform_indices = #map1}, {transform_indices = #map1}, {transform_indices = #map}, {transform_indices = #map1}]} {
    %mul3A = arith.constant 2 : i32
    %mul3A_0 = arith.muli %arg1, %mul3A : i32
    %add3A = arith.addi %mul3A_0, %arg0 : i32
    %mul3A_1 = arith.constant 640 : i32
    %mul3A_2 = arith.muli %arg1, %mul3A_1 : i32
    "tpu.region"() ({
      %run_scoped3A = tpu.sem_alloc : memref<!tpu.dma_semaphore, #tpu.memory_space<semaphore_mem>>
      %dma_start3A = arith.constant 0 : i32
      %dma_start3A_9 = tpu.memref_slice %arg10[%mul3A_2, %dma_start3A] : memref<10240x128xf32, #tpu.memory_space<vmem_shared>> -> memref<640x128xf32, #tpu.memory_space<vmem_shared>>
      %dma_start3A_10 = arith.constant 0 : i32
      %dma_start3A_11 = tpu.memref_slice %arg5[%mul3A_2, %dma_start3A_10] : memref<10240x128xf32, #tpu.memory_space<hbm>> -> memref<640x128xf32, #tpu.memory_space<hbm>>
      tpu.enqueue_dma source(%dma_start3A_11 : memref<640x128xf32, #tpu.memory_space<hbm>>) target(%dma_start3A_9 : memref<640x128xf32, #tpu.memory_space<vmem_shared>>) target_semaphore(%run_scoped3A : memref<!tpu.dma_semaphore, #tpu.memory_space<semaphore_mem>>)
      %dma_wait3A = arith.constant 0 : i32
      %dma_wait3A_12 = tpu.memref_slice %arg10[%mul3A_2, %dma_wait3A] : memref<10240x128xf32, #tpu.memory_space<vmem_shared>> -> memref<640x128xf32, #tpu.memory_space<vmem_shared>>
      %dma_wait3A_13 = arith.constant 0 : i32
      %dma_wait3A_14 = tpu.memref_slice %arg5[%mul3A_2, %dma_wait3A_13] : memref<10240x128xf32, #tpu.memory_space<hbm>> -> memref<640x128xf32, #tpu.memory_space<hbm>>
      tpu.wait_dma2 semaphore(%run_scoped3A : memref<!tpu.dma_semaphore, #tpu.memory_space<semaphore_mem>>) src(%dma_wait3A_14 : memref<640x128xf32, #tpu.memory_space<hbm>>) dst(%dma_wait3A_12 : memref<640x128xf32, #tpu.memory_space<vmem_shared>>)
      tpu.yield
    }) : () -> ()
    "tpu.region"() ({
      %run_scoped3A = tpu.sem_alloc : memref<!tpu.dma_semaphore, #tpu.memory_space<semaphore_mem>>
      %dma_start3A = arith.constant 0 : i32
      %dma_start3A_9 = arith.constant 0 : i32
      %dma_start3A_10 = tpu.memref_slice %arg3[%add3A, %dma_start3A, %dma_start3A_9] : memref<32x79x128xi32, #tpu.memory_space<hbm>> -> memref<1x79x128xi32, #tpu.memory_space<hbm>>
      %dma_start3A_11 = tpu.memref_squeeze %dma_start3A_10 : memref<1x79x128xi32, #tpu.memory_space<hbm>> -> memref<79x128xi32, #tpu.memory_space<hbm>>
      %dma_start3A_12 = arith.constant 0 : i32
      %dma_start3A_13 = arith.constant 0 : i32
      %dma_start3A_14 = tpu.memref_slice %arg3[%add3A, %dma_start3A_12, %dma_start3A_13] : memref<32x79x128xi32, #tpu.memory_space<hbm>> -> memref<1x79x128xi32, #tpu.memory_space<hbm>>
      %dma_start3A_15 = tpu.memref_squeeze %dma_start3A_14 : memref<1x79x128xi32, #tpu.memory_space<hbm>> -> memref<79x128xi32, #tpu.memory_space<hbm>>
      tpu.enqueue_dma source(%dma_start3A_15 : memref<79x128xi32, #tpu.memory_space<hbm>>) target(%arg7 : memref<79x128xi32, #tpu.memory_space<vmem>>) target_semaphore(%run_scoped3A : memref<!tpu.dma_semaphore, #tpu.memory_space<semaphore_mem>>)
      %dma_wait3A = arith.constant 0 : i32
      %dma_wait3A_16 = arith.constant 0 : i32
      %dma_wait3A_17 = tpu.memref_slice %arg3[%add3A, %dma_wait3A, %dma_wait3A_16] : memref<32x79x128xi32, #tpu.memory_space<hbm>> -> memref<1x79x128xi32, #tpu.memory_space<hbm>>
      %dma_wait3A_18 = tpu.memref_squeeze %dma_wait3A_17 : memref<1x79x128xi32, #tpu.memory_space<hbm>> -> memref<79x128xi32, #tpu.memory_space<hbm>>
      %dma_wait3A_19 = arith.constant 0 : i32
      %dma_wait3A_20 = arith.constant 0 : i32
      %dma_wait3A_21 = tpu.memref_slice %arg3[%add3A, %dma_wait3A_19, %dma_wait3A_20] : memref<32x79x128xi32, #tpu.memory_space<hbm>> -> memref<1x79x128xi32, #tpu.memory_space<hbm>>
      %dma_wait3A_22 = tpu.memref_squeeze %dma_wait3A_21 : memref<1x79x128xi32, #tpu.memory_space<hbm>> -> memref<79x128xi32, #tpu.memory_space<hbm>>
      tpu.wait_dma2 semaphore(%run_scoped3A : memref<!tpu.dma_semaphore, #tpu.memory_space<semaphore_mem>>) src(%dma_wait3A_22 : memref<79x128xi32, #tpu.memory_space<hbm>>) dst(%arg7 : memref<79x128xi32, #tpu.memory_space<vmem>>)
      tpu.yield
    }) : () -> ()
    "tpu.region"() ({
      %run_scoped3A = tpu.sem_alloc : memref<!tpu.dma_semaphore, #tpu.memory_space<semaphore_mem>>
      %dma_start3A = arith.constant 0 : i32
      %dma_start3A_9 = arith.constant 0 : i32
      %dma_start3A_10 = tpu.memref_slice %arg4[%add3A, %dma_start3A, %dma_start3A_9] : memref<32x79x128xi32, #tpu.memory_space<hbm>> -> memref<1x79x128xi32, #tpu.memory_space<hbm>>
      %dma_start3A_11 = tpu.memref_squeeze %dma_start3A_10 : memref<1x79x128xi32, #tpu.memory_space<hbm>> -> memref<79x128xi32, #tpu.memory_space<hbm>>
      %dma_start3A_12 = arith.constant 0 : i32
      %dma_start3A_13 = arith.constant 0 : i32
      %dma_start3A_14 = tpu.memref_slice %arg4[%add3A, %dma_start3A_12, %dma_start3A_13] : memref<32x79x128xi32, #tpu.memory_space<hbm>> -> memref<1x79x128xi32, #tpu.memory_space<hbm>>
      %dma_start3A_15 = tpu.memref_squeeze %dma_start3A_14 : memref<1x79x128xi32, #tpu.memory_space<hbm>> -> memref<79x128xi32, #tpu.memory_space<hbm>>
      tpu.enqueue_dma source(%dma_start3A_15 : memref<79x128xi32, #tpu.memory_space<hbm>>) target(%arg8 : memref<79x128xi32, #tpu.memory_space<vmem>>) target_semaphore(%run_scoped3A : memref<!tpu.dma_semaphore, #tpu.memory_space<semaphore_mem>>)
      %dma_wait3A = arith.constant 0 : i32
      %dma_wait3A_16 = arith.constant 0 : i32
      %dma_wait3A_17 = tpu.memref_slice %arg4[%add3A, %dma_wait3A, %dma_wait3A_16] : memref<32x79x128xi32, #tpu.memory_space<hbm>> -> memref<1x79x128xi32, #tpu.memory_space<hbm>>
      %dma_wait3A_18 = tpu.memref_squeeze %dma_wait3A_17 : memref<1x79x128xi32, #tpu.memory_space<hbm>> -> memref<79x128xi32, #tpu.memory_space<hbm>>
      %dma_wait3A_19 = arith.constant 0 : i32
      %dma_wait3A_20 = arith.constant 0 : i32
      %dma_wait3A_21 = tpu.memref_slice %arg4[%add3A, %dma_wait3A_19, %dma_wait3A_20] : memref<32x79x128xi32, #tpu.memory_space<hbm>> -> memref<1x79x128xi32, #tpu.memory_space<hbm>>
      %dma_wait3A_22 = tpu.memref_squeeze %dma_wait3A_21 : memref<1x79x128xi32, #tpu.memory_space<hbm>> -> memref<79x128xi32, #tpu.memory_space<hbm>>
      tpu.wait_dma2 semaphore(%run_scoped3A : memref<!tpu.dma_semaphore, #tpu.memory_space<semaphore_mem>>) src(%dma_wait3A_22 : memref<79x128xi32, #tpu.memory_space<hbm>>) dst(%arg8 : memref<79x128xi32, #tpu.memory_space<vmem>>)
      tpu.yield
    }) : () -> ()
    %barrier3A = arith.constant 0 : index
    tpu.barrier barrier_id(%barrier3A)
    %scan3A = arith.constant 0 : i32
    %scan3A_3 = arith.constant 0 : i32
    %scan3A_4 = arith.constant 79 : i32
    %scan3A_5 = arith.addi %scan3A_3, %scan3A_4 : i32
    %scan3A_6 = arith.constant 1 : i32
    scf.for %scan3A_9 = %scan3A_3 to %scan3A_5 step %scan3A_6  : i32 {
      %dma_start3A = arith.constant 0 : i32
      %dma_start3A_10 = tpu.memref_slice %arg7[%scan3A_9, %dma_start3A] : memref<79x128xi32, #tpu.memory_space<vmem>> -> memref<1x128xi32, #tpu.memory_space<vmem>>
      %dma_start3A_11 = tpu.memref_squeeze %dma_start3A_10 : memref<1x128xi32, #tpu.memory_space<vmem>> -> memref<128xi32, #tpu.memory_space<vmem>>
      %dma_start3A_12 = arith.constant 0 : i32
      %dma_start3A_13 = arith.constant 0 : i32
      %dma_start3A_14 = tpu.memref_slice %arg2[%dma_start3A_12, %dma_start3A_13] : memref<10240x128xf32, #tpu.memory_space<hbm>> -> memref<10240x128xf32, #tpu.memory_space<hbm>>
      tpu.enqueue_indirect_dma source(%dma_start3A_14 : memref<10240x128xf32, #tpu.memory_space<hbm>>) target(%arg9 : memref<128x128xf32, #tpu.memory_space<vmem>>) offsets(%dma_start3A_11 : memref<128xi32, #tpu.memory_space<vmem>>) semaphore(%arg11 : memref<!tpu.dma_semaphore, #tpu.memory_space<semaphore_mem>>)
      %dma_wait3A = arith.constant 0 : i32
      %dma_wait3A_15 = tpu.memref_slice %arg7[%scan3A_9, %dma_wait3A] : memref<79x128xi32, #tpu.memory_space<vmem>> -> memref<1x128xi32, #tpu.memory_space<vmem>>
      %dma_wait3A_16 = tpu.memref_squeeze %dma_wait3A_15 : memref<1x128xi32, #tpu.memory_space<vmem>> -> memref<128xi32, #tpu.memory_space<vmem>>
      %dma_wait3A_17 = arith.constant 0 : i32
      %dma_wait3A_18 = arith.constant 0 : i32
      %dma_wait3A_19 = tpu.memref_slice %arg2[%dma_wait3A_17, %dma_wait3A_18] : memref<10240x128xf32, #tpu.memory_space<hbm>> -> memref<10240x128xf32, #tpu.memory_space<hbm>>
      tpu.wait_indirect_dma semaphore(%arg11 : memref<!tpu.dma_semaphore, #tpu.memory_space<semaphore_mem>>) src(%dma_wait3A_19 : memref<10240x128xf32, #tpu.memory_space<hbm>>) dst(%arg9 : memref<128x128xf32, #tpu.memory_space<vmem>>)
      "tpu.region"() ({
        %run_scoped3A = tpu.sem_alloc : memref<!tpu.dma_semaphore, #tpu.memory_space<semaphore_mem>>
        %dma_start3A_20 = arith.constant 0 : i32
        %dma_start3A_21 = tpu.memref_slice %arg8[%scan3A_9, %dma_start3A_20] : memref<79x128xi32, #tpu.memory_space<vmem>> -> memref<1x128xi32, #tpu.memory_space<vmem>>
        %dma_start3A_22 = tpu.memref_squeeze %dma_start3A_21 : memref<1x128xi32, #tpu.memory_space<vmem>> -> memref<128xi32, #tpu.memory_space<vmem>>
        %dma_start3A_23 = arith.constant 0 : i32
        %dma_start3A_24 = arith.constant 0 : i32
        %dma_start3A_25 = tpu.memref_slice %arg10[%dma_start3A_23, %dma_start3A_24] : memref<10240x128xf32, #tpu.memory_space<vmem_shared>> -> memref<10240x128xf32, #tpu.memory_space<vmem_shared>>
        tpu.enqueue_indirect_dma source(%arg9 : memref<128x128xf32, #tpu.memory_space<vmem>>) target(%dma_start3A_25 : memref<10240x128xf32, #tpu.memory_space<vmem_shared>>) offsets(%dma_start3A_22 : memref<128xi32, #tpu.memory_space<vmem>>) semaphore(%run_scoped3A : memref<!tpu.dma_semaphore, #tpu.memory_space<semaphore_mem>>) {add = true}
        %dma_wait3A_26 = arith.constant 0 : i32
        %dma_wait3A_27 = tpu.memref_slice %arg8[%scan3A_9, %dma_wait3A_26] : memref<79x128xi32, #tpu.memory_space<vmem>> -> memref<1x128xi32, #tpu.memory_space<vmem>>
        %dma_wait3A_28 = tpu.memref_squeeze %dma_wait3A_27 : memref<1x128xi32, #tpu.memory_space<vmem>> -> memref<128xi32, #tpu.memory_space<vmem>>
        %dma_wait3A_29 = arith.constant 0 : i32
        %dma_wait3A_30 = arith.constant 0 : i32
        %dma_wait3A_31 = tpu.memref_slice %arg10[%dma_wait3A_29, %dma_wait3A_30] : memref<10240x128xf32, #tpu.memory_space<vmem_shared>> -> memref<10240x128xf32, #tpu.memory_space<vmem_shared>>
        tpu.wait_indirect_dma semaphore(%run_scoped3A : memref<!tpu.dma_semaphore, #tpu.memory_space<semaphore_mem>>) src(%arg9 : memref<128x128xf32, #tpu.memory_space<vmem>>) dst(%dma_wait3A_31 : memref<10240x128xf32, #tpu.memory_space<vmem_shared>>)
        tpu.yield
      }) : () -> ()
    }
    %scan3A_7 = arith.constant 79 : i32
    %barrier3A_8 = arith.constant 0 : index
    tpu.barrier barrier_id(%barrier3A_8)
    "tpu.region"() ({
      %run_scoped3A = tpu.sem_alloc : memref<!tpu.dma_semaphore, #tpu.memory_space<semaphore_mem>>
      %dma_start3A = arith.constant 0 : i32
      %dma_start3A_9 = tpu.memref_slice %arg6[%arg0, %mul3A_2, %dma_start3A] : memref<2x10240x128xf32, #tpu.memory_space<hbm>> -> memref<1x640x128xf32, #tpu.memory_space<hbm>>
      %dma_start3A_10 = tpu.memref_squeeze %dma_start3A_9 : memref<1x640x128xf32, #tpu.memory_space<hbm>> -> memref<640x128xf32, #tpu.memory_space<hbm>>
      %dma_start3A_11 = arith.constant 0 : i32
      %dma_start3A_12 = tpu.memref_slice %arg10[%mul3A_2, %dma_start3A_11] : memref<10240x128xf32, #tpu.memory_space<vmem_shared>> -> memref<640x128xf32, #tpu.memory_space<vmem_shared>>
      tpu.enqueue_dma source(%dma_start3A_12 : memref<640x128xf32, #tpu.memory_space<vmem_shared>>) target(%dma_start3A_10 : memref<640x128xf32, #tpu.memory_space<hbm>>) target_semaphore(%run_scoped3A : memref<!tpu.dma_semaphore, #tpu.memory_space<semaphore_mem>>)
      %dma_wait3A = arith.constant 0 : i32
      %dma_wait3A_13 = tpu.memref_slice %arg6[%arg0, %mul3A_2, %dma_wait3A] : memref<2x10240x128xf32, #tpu.memory_space<hbm>> -> memref<1x640x128xf32, #tpu.memory_space<hbm>>
      %dma_wait3A_14 = tpu.memref_squeeze %dma_wait3A_13 : memref<1x640x128xf32, #tpu.memory_space<hbm>> -> memref<640x128xf32, #tpu.memory_space<hbm>>
      %dma_wait3A_15 = arith.constant 0 : i32
      %dma_wait3A_16 = tpu.memref_slice %arg10[%mul3A_2, %dma_wait3A_15] : memref<10240x128xf32, #tpu.memory_space<vmem_shared>> -> memref<640x128xf32, #tpu.memory_space<vmem_shared>>
      tpu.wait_dma2 semaphore(%run_scoped3A : memref<!tpu.dma_semaphore, #tpu.memory_space<semaphore_mem>>) src(%dma_wait3A_16 : memref<640x128xf32, #tpu.memory_space<vmem_shared>>) dst(%dma_wait3A_14 : memref<640x128xf32, #tpu.memory_space<hbm>>)
      tpu.yield
    }) : () -> ()
    return
  }
}

#map = affine_map<(d0, d1) -> (0, 0)>
#map1 = affine_map<(d0, d1) -> (0, 0, 0)>
module attributes {stable_mosaic.version = 14 : i64} {
  func.func @_agg_body(%arg0: i32, %arg1: i32, %arg2: memref<10240x128xf32, #tpu.memory_space<hbm>>, %arg3: memref<32x79x128xi32, #tpu.memory_space<hbm>>, %arg4: memref<32x79x128xi32, #tpu.memory_space<hbm>>, %arg5: memref<10240x128xf32, #tpu.memory_space<hbm>>, %arg6: memref<2x10240x128xf32, #tpu.memory_space<hbm>>, %arg7: memref<79x128xi32, #tpu.memory_space<vmem>>, %arg8: memref<79x128xi32, #tpu.memory_space<vmem>>, %arg9: memref<128x128xf32, #tpu.memory_space<vmem>>, %arg10: memref<10240x128xf32, #tpu.memory_space<vmem_shared>>, %arg11: memref<!tpu.dma_semaphore, #tpu.memory_space<semaphore_mem>>) attributes {dimension_semantics = [#tpu.dimension_semantics<core_parallel>, #tpu.dimension_semantics<subcore_parallel>], iteration_bounds = array<i64: 2, 16>, scalar_prefetch = 0 : i64, scratch_operands = 5 : i64, tpu.core_type = #tpu.core_type<sc_vector_subcore>, window_params = [{transform_indices = #map}, {transform_indices = #map1}, {transform_indices = #map1}, {transform_indices = #map}, {transform_indices = #map1}]} {
    %mul3A = arith.constant 2 : i32
    %mul3A_0 = arith.muli %arg1, %mul3A : i32
    %add3A = arith.addi %mul3A_0, %arg0 : i32
    %mul3A_1 = arith.constant 640 : i32
    %mul3A_2 = arith.muli %arg1, %mul3A_1 : i32
    "tpu.region"() ({
      %run_scoped3A = tpu.sem_alloc : memref<!tpu.dma_semaphore, #tpu.memory_space<semaphore_mem>>
      %dma_start3A = arith.constant 0 : i32
      %dma_start3A_9 = tpu.memref_slice %arg10[%mul3A_2, %dma_start3A] : memref<10240x128xf32, #tpu.memory_space<vmem_shared>> -> memref<640x128xf32, #tpu.memory_space<vmem_shared>>
      %dma_start3A_10 = arith.constant 0 : i32
      %dma_start3A_11 = tpu.memref_slice %arg5[%mul3A_2, %dma_start3A_10] : memref<10240x128xf32, #tpu.memory_space<hbm>> -> memref<640x128xf32, #tpu.memory_space<hbm>>
      tpu.enqueue_dma source(%dma_start3A_11 : memref<640x128xf32, #tpu.memory_space<hbm>>) target(%dma_start3A_9 : memref<640x128xf32, #tpu.memory_space<vmem_shared>>) target_semaphore(%run_scoped3A : memref<!tpu.dma_semaphore, #tpu.memory_space<semaphore_mem>>)
      %dma_wait3A = arith.constant 0 : i32
      %dma_wait3A_12 = tpu.memref_slice %arg10[%mul3A_2, %dma_wait3A] : memref<10240x128xf32, #tpu.memory_space<vmem_shared>> -> memref<640x128xf32, #tpu.memory_space<vmem_shared>>
      %dma_wait3A_13 = arith.constant 0 : i32
      %dma_wait3A_14 = tpu.memref_slice %arg5[%mul3A_2, %dma_wait3A_13] : memref<10240x128xf32, #tpu.memory_space<hbm>> -> memref<640x128xf32, #tpu.memory_space<hbm>>
      tpu.wait_dma2 semaphore(%run_scoped3A : memref<!tpu.dma_semaphore, #tpu.memory_space<semaphore_mem>>) src(%dma_wait3A_14 : memref<640x128xf32, #tpu.memory_space<hbm>>) dst(%dma_wait3A_12 : memref<640x128xf32, #tpu.memory_space<vmem_shared>>)
      tpu.yield
    }) : () -> ()
    "tpu.region"() ({
      %run_scoped3A = tpu.sem_alloc : memref<!tpu.dma_semaphore, #tpu.memory_space<semaphore_mem>>
      %dma_start3A = arith.constant 0 : i32
      %dma_start3A_9 = arith.constant 0 : i32
      %dma_start3A_10 = tpu.memref_slice %arg3[%add3A, %dma_start3A, %dma_start3A_9] : memref<32x79x128xi32, #tpu.memory_space<hbm>> -> memref<1x79x128xi32, #tpu.memory_space<hbm>>
      %dma_start3A_11 = tpu.memref_squeeze %dma_start3A_10 : memref<1x79x128xi32, #tpu.memory_space<hbm>> -> memref<79x128xi32, #tpu.memory_space<hbm>>
      %dma_start3A_12 = arith.constant 0 : i32
      %dma_start3A_13 = arith.constant 0 : i32
      %dma_start3A_14 = tpu.memref_slice %arg3[%add3A, %dma_start3A_12, %dma_start3A_13] : memref<32x79x128xi32, #tpu.memory_space<hbm>> -> memref<1x79x128xi32, #tpu.memory_space<hbm>>
      %dma_start3A_15 = tpu.memref_squeeze %dma_start3A_14 : memref<1x79x128xi32, #tpu.memory_space<hbm>> -> memref<79x128xi32, #tpu.memory_space<hbm>>
      tpu.enqueue_dma source(%dma_start3A_15 : memref<79x128xi32, #tpu.memory_space<hbm>>) target(%arg7 : memref<79x128xi32, #tpu.memory_space<vmem>>) target_semaphore(%run_scoped3A : memref<!tpu.dma_semaphore, #tpu.memory_space<semaphore_mem>>)
      %dma_wait3A = arith.constant 0 : i32
      %dma_wait3A_16 = arith.constant 0 : i32
      %dma_wait3A_17 = tpu.memref_slice %arg3[%add3A, %dma_wait3A, %dma_wait3A_16] : memref<32x79x128xi32, #tpu.memory_space<hbm>> -> memref<1x79x128xi32, #tpu.memory_space<hbm>>
      %dma_wait3A_18 = tpu.memref_squeeze %dma_wait3A_17 : memref<1x79x128xi32, #tpu.memory_space<hbm>> -> memref<79x128xi32, #tpu.memory_space<hbm>>
      %dma_wait3A_19 = arith.constant 0 : i32
      %dma_wait3A_20 = arith.constant 0 : i32
      %dma_wait3A_21 = tpu.memref_slice %arg3[%add3A, %dma_wait3A_19, %dma_wait3A_20] : memref<32x79x128xi32, #tpu.memory_space<hbm>> -> memref<1x79x128xi32, #tpu.memory_space<hbm>>
      %dma_wait3A_22 = tpu.memref_squeeze %dma_wait3A_21 : memref<1x79x128xi32, #tpu.memory_space<hbm>> -> memref<79x128xi32, #tpu.memory_space<hbm>>
      tpu.wait_dma2 semaphore(%run_scoped3A : memref<!tpu.dma_semaphore, #tpu.memory_space<semaphore_mem>>) src(%dma_wait3A_22 : memref<79x128xi32, #tpu.memory_space<hbm>>) dst(%arg7 : memref<79x128xi32, #tpu.memory_space<vmem>>)
      tpu.yield
    }) : () -> ()
    "tpu.region"() ({
      %run_scoped3A = tpu.sem_alloc : memref<!tpu.dma_semaphore, #tpu.memory_space<semaphore_mem>>
      %dma_start3A = arith.constant 0 : i32
      %dma_start3A_9 = arith.constant 0 : i32
      %dma_start3A_10 = tpu.memref_slice %arg4[%add3A, %dma_start3A, %dma_start3A_9] : memref<32x79x128xi32, #tpu.memory_space<hbm>> -> memref<1x79x128xi32, #tpu.memory_space<hbm>>
      %dma_start3A_11 = tpu.memref_squeeze %dma_start3A_10 : memref<1x79x128xi32, #tpu.memory_space<hbm>> -> memref<79x128xi32, #tpu.memory_space<hbm>>
      %dma_start3A_12 = arith.constant 0 : i32
      %dma_start3A_13 = arith.constant 0 : i32
      %dma_start3A_14 = tpu.memref_slice %arg4[%add3A, %dma_start3A_12, %dma_start3A_13] : memref<32x79x128xi32, #tpu.memory_space<hbm>> -> memref<1x79x128xi32, #tpu.memory_space<hbm>>
      %dma_start3A_15 = tpu.memref_squeeze %dma_start3A_14 : memref<1x79x128xi32, #tpu.memory_space<hbm>> -> memref<79x128xi32, #tpu.memory_space<hbm>>
      tpu.enqueue_dma source(%dma_start3A_15 : memref<79x128xi32, #tpu.memory_space<hbm>>) target(%arg8 : memref<79x128xi32, #tpu.memory_space<vmem>>) target_semaphore(%run_scoped3A : memref<!tpu.dma_semaphore, #tpu.memory_space<semaphore_mem>>)
      %dma_wait3A = arith.constant 0 : i32
      %dma_wait3A_16 = arith.constant 0 : i32
      %dma_wait3A_17 = tpu.memref_slice %arg4[%add3A, %dma_wait3A, %dma_wait3A_16] : memref<32x79x128xi32, #tpu.memory_space<hbm>> -> memref<1x79x128xi32, #tpu.memory_space<hbm>>
      %dma_wait3A_18 = tpu.memref_squeeze %dma_wait3A_17 : memref<1x79x128xi32, #tpu.memory_space<hbm>> -> memref<79x128xi32, #tpu.memory_space<hbm>>
      %dma_wait3A_19 = arith.constant 0 : i32
      %dma_wait3A_20 = arith.constant 0 : i32
      %dma_wait3A_21 = tpu.memref_slice %arg4[%add3A, %dma_wait3A_19, %dma_wait3A_20] : memref<32x79x128xi32, #tpu.memory_space<hbm>> -> memref<1x79x128xi32, #tpu.memory_space<hbm>>
      %dma_wait3A_22 = tpu.memref_squeeze %dma_wait3A_21 : memref<1x79x128xi32, #tpu.memory_space<hbm>> -> memref<79x128xi32, #tpu.memory_space<hbm>>
      tpu.wait_dma2 semaphore(%run_scoped3A : memref<!tpu.dma_semaphore, #tpu.memory_space<semaphore_mem>>) src(%dma_wait3A_22 : memref<79x128xi32, #tpu.memory_space<hbm>>) dst(%arg8 : memref<79x128xi32, #tpu.memory_space<vmem>>)
      tpu.yield
    }) : () -> ()
    %barrier3A = arith.constant 0 : index
    tpu.barrier barrier_id(%barrier3A)
    %scan3A = arith.constant 0 : i32
    %scan3A_3 = arith.constant 0 : i32
    %scan3A_4 = arith.constant 79 : i32
    %scan3A_5 = arith.addi %scan3A_3, %scan3A_4 : i32
    %scan3A_6 = arith.constant 1 : i32
    scf.for %scan3A_9 = %scan3A_3 to %scan3A_5 step %scan3A_6  : i32 {
      %dma_start3A = arith.constant 0 : i32
      %dma_start3A_10 = tpu.memref_slice %arg7[%scan3A_9, %dma_start3A] : memref<79x128xi32, #tpu.memory_space<vmem>> -> memref<1x128xi32, #tpu.memory_space<vmem>>
      %dma_start3A_11 = tpu.memref_squeeze %dma_start3A_10 : memref<1x128xi32, #tpu.memory_space<vmem>> -> memref<128xi32, #tpu.memory_space<vmem>>
      %dma_start3A_12 = arith.constant 0 : i32
      %dma_start3A_13 = arith.constant 0 : i32
      %dma_start3A_14 = tpu.memref_slice %arg2[%dma_start3A_12, %dma_start3A_13] : memref<10240x128xf32, #tpu.memory_space<hbm>> -> memref<10240x128xf32, #tpu.memory_space<hbm>>
      tpu.enqueue_indirect_dma source(%dma_start3A_14 : memref<10240x128xf32, #tpu.memory_space<hbm>>) target(%arg9 : memref<128x128xf32, #tpu.memory_space<vmem>>) offsets(%dma_start3A_11 : memref<128xi32, #tpu.memory_space<vmem>>) semaphore(%arg11 : memref<!tpu.dma_semaphore, #tpu.memory_space<semaphore_mem>>)
      %dma_wait3A = arith.constant 0 : i32
      %dma_wait3A_15 = tpu.memref_slice %arg7[%scan3A_9, %dma_wait3A] : memref<79x128xi32, #tpu.memory_space<vmem>> -> memref<1x128xi32, #tpu.memory_space<vmem>>
      %dma_wait3A_16 = tpu.memref_squeeze %dma_wait3A_15 : memref<1x128xi32, #tpu.memory_space<vmem>> -> memref<128xi32, #tpu.memory_space<vmem>>
      %dma_wait3A_17 = arith.constant 0 : i32
      %dma_wait3A_18 = arith.constant 0 : i32
      %dma_wait3A_19 = tpu.memref_slice %arg2[%dma_wait3A_17, %dma_wait3A_18] : memref<10240x128xf32, #tpu.memory_space<hbm>> -> memref<10240x128xf32, #tpu.memory_space<hbm>>
      tpu.wait_indirect_dma semaphore(%arg11 : memref<!tpu.dma_semaphore, #tpu.memory_space<semaphore_mem>>) src(%dma_wait3A_19 : memref<10240x128xf32, #tpu.memory_space<hbm>>) dst(%arg9 : memref<128x128xf32, #tpu.memory_space<vmem>>)
      "tpu.region"() ({
        %run_scoped3A = tpu.sem_alloc : memref<!tpu.dma_semaphore, #tpu.memory_space<semaphore_mem>>
        %dma_start3A_20 = arith.constant 0 : i32
        %dma_start3A_21 = tpu.memref_slice %arg8[%scan3A_9, %dma_start3A_20] : memref<79x128xi32, #tpu.memory_space<vmem>> -> memref<1x128xi32, #tpu.memory_space<vmem>>
        %dma_start3A_22 = tpu.memref_squeeze %dma_start3A_21 : memref<1x128xi32, #tpu.memory_space<vmem>> -> memref<128xi32, #tpu.memory_space<vmem>>
        %dma_start3A_23 = arith.constant 0 : i32
        %dma_start3A_24 = arith.constant 0 : i32
        %dma_start3A_25 = tpu.memref_slice %arg10[%dma_start3A_23, %dma_start3A_24] : memref<10240x128xf32, #tpu.memory_space<vmem_shared>> -> memref<10240x128xf32, #tpu.memory_space<vmem_shared>>
        tpu.enqueue_indirect_dma source(%arg9 : memref<128x128xf32, #tpu.memory_space<vmem>>) target(%dma_start3A_25 : memref<10240x128xf32, #tpu.memory_space<vmem_shared>>) offsets(%dma_start3A_22 : memref<128xi32, #tpu.memory_space<vmem>>) semaphore(%run_scoped3A : memref<!tpu.dma_semaphore, #tpu.memory_space<semaphore_mem>>) {add = true}
        %dma_wait3A_26 = arith.constant 0 : i32
        %dma_wait3A_27 = tpu.memref_slice %arg8[%scan3A_9, %dma_wait3A_26] : memref<79x128xi32, #tpu.memory_space<vmem>> -> memref<1x128xi32, #tpu.memory_space<vmem>>
        %dma_wait3A_28 = tpu.memref_squeeze %dma_wait3A_27 : memref<1x128xi32, #tpu.memory_space<vmem>> -> memref<128xi32, #tpu.memory_space<vmem>>
        %dma_wait3A_29 = arith.constant 0 : i32
        %dma_wait3A_30 = arith.constant 0 : i32
        %dma_wait3A_31 = tpu.memref_slice %arg10[%dma_wait3A_29, %dma_wait3A_30] : memref<10240x128xf32, #tpu.memory_space<vmem_shared>> -> memref<10240x128xf32, #tpu.memory_space<vmem_shared>>
        tpu.wait_indirect_dma semaphore(%run_scoped3A : memref<!tpu.dma_semaphore, #tpu.memory_space<semaphore_mem>>) src(%arg9 : memref<128x128xf32, #tpu.memory_space<vmem>>) dst(%dma_wait3A_31 : memref<10240x128xf32, #tpu.memory_space<vmem_shared>>)
        tpu.yield
      }) : () -> ()
    }
    %scan3A_7 = arith.constant 79 : i32
    %barrier3A_8 = arith.constant 0 : index
    tpu.barrier barrier_id(%barrier3A_8)
    "tpu.region"() ({
      %run_scoped3A = tpu.sem_alloc : memref<!tpu.dma_semaphore, #tpu.memory_space<semaphore_mem>>
      %dma_start3A = arith.constant 0 : i32
      %dma_start3A_9 = tpu.memref_slice %arg6[%arg0, %mul3A_2, %dma_start3A] : memref<2x10240x128xf32, #tpu.memory_space<hbm>> -> memref<1x640x128xf32, #tpu.memory_space<hbm>>
      %dma_start3A_10 = tpu.memref_squeeze %dma_start3A_9 : memref<1x640x128xf32, #tpu.memory_space<hbm>> -> memref<640x128xf32, #tpu.memory_space<hbm>>
      %dma_start3A_11 = arith.constant 0 : i32
      %dma_start3A_12 = tpu.memref_slice %arg10[%mul3A_2, %dma_start3A_11] : memref<10240x128xf32, #tpu.memory_space<vmem_shared>> -> memref<640x128xf32, #tpu.memory_space<vmem_shared>>
      tpu.enqueue_dma source(%dma_start3A_12 : memref<640x128xf32, #tpu.memory_space<vmem_shared>>) target(%dma_start3A_10 : memref<640x128xf32, #tpu.memory_space<hbm>>) target_semaphore(%run_scoped3A : memref<!tpu.dma_semaphore, #tpu.memory_space<semaphore_mem>>)
      %dma_wait3A = arith.constant 0 : i32
      %dma_wait3A_13 = tpu.memref_slice %arg6[%arg0, %mul3A_2, %dma_wait3A] : memref<2x10240x128xf32, #tpu.memory_space<hbm>> -> memref<1x640x128xf32, #tpu.memory_space<hbm>>
      %dma_wait3A_14 = tpu.memref_squeeze %dma_wait3A_13 : memref<1x640x128xf32, #tpu.memory_space<hbm>> -> memref<640x128xf32, #tpu.memory_space<hbm>>
      %dma_wait3A_15 = arith.constant 0 : i32
      %dma_wait3A_16 = tpu.memref_slice %arg10[%mul3A_2, %dma_wait3A_15] : memref<10240x128xf32, #tpu.memory_space<vmem_shared>> -> memref<640x128xf32, #tpu.memory_space<vmem_shared>>
      tpu.wait_dma2 semaphore(%run_scoped3A : memref<!tpu.dma_semaphore, #tpu.memory_space<semaphore_mem>>) src(%dma_wait3A_16 : memref<640x128xf32, #tpu.memory_space<vmem_shared>>) dst(%dma_wait3A_14 : memref<640x128xf32, #tpu.memory_space<hbm>>)
      tpu.yield
    }) : () -> ()
    return
  }
}

#map = affine_map<(d0, d1) -> (0, 0)>
#map1 = affine_map<(d0, d1) -> (0, 0, 0)>
module attributes {stable_mosaic.version = 14 : i64} {
  func.func @_agg_body(%arg0: i32, %arg1: i32, %arg2: memref<10240x128xf32, #tpu.memory_space<hbm>>, %arg3: memref<32x79x128xi32, #tpu.memory_space<hbm>>, %arg4: memref<32x79x128xi32, #tpu.memory_space<hbm>>, %arg5: memref<10240x128xf32, #tpu.memory_space<hbm>>, %arg6: memref<2x10240x128xf32, #tpu.memory_space<hbm>>, %arg7: memref<79x128xi32, #tpu.memory_space<vmem>>, %arg8: memref<79x128xi32, #tpu.memory_space<vmem>>, %arg9: memref<128x128xf32, #tpu.memory_space<vmem>>, %arg10: memref<10240x128xf32, #tpu.memory_space<vmem_shared>>, %arg11: memref<!tpu.dma_semaphore, #tpu.memory_space<semaphore_mem>>) attributes {dimension_semantics = [#tpu.dimension_semantics<core_parallel>, #tpu.dimension_semantics<subcore_parallel>], iteration_bounds = array<i64: 2, 16>, scalar_prefetch = 0 : i64, scratch_operands = 5 : i64, tpu.core_type = #tpu.core_type<sc_vector_subcore>, window_params = [{transform_indices = #map}, {transform_indices = #map1}, {transform_indices = #map1}, {transform_indices = #map}, {transform_indices = #map1}]} {
    %mul3A = arith.constant 2 : i32
    %mul3A_0 = arith.muli %arg1, %mul3A : i32
    %add3A = arith.addi %mul3A_0, %arg0 : i32
    %mul3A_1 = arith.constant 640 : i32
    %mul3A_2 = arith.muli %arg1, %mul3A_1 : i32
    "tpu.region"() ({
      %run_scoped3A = tpu.sem_alloc : memref<!tpu.dma_semaphore, #tpu.memory_space<semaphore_mem>>
      %dma_start3A = arith.constant 0 : i32
      %dma_start3A_9 = tpu.memref_slice %arg10[%mul3A_2, %dma_start3A] : memref<10240x128xf32, #tpu.memory_space<vmem_shared>> -> memref<640x128xf32, #tpu.memory_space<vmem_shared>>
      %dma_start3A_10 = arith.constant 0 : i32
      %dma_start3A_11 = tpu.memref_slice %arg5[%mul3A_2, %dma_start3A_10] : memref<10240x128xf32, #tpu.memory_space<hbm>> -> memref<640x128xf32, #tpu.memory_space<hbm>>
      tpu.enqueue_dma source(%dma_start3A_11 : memref<640x128xf32, #tpu.memory_space<hbm>>) target(%dma_start3A_9 : memref<640x128xf32, #tpu.memory_space<vmem_shared>>) target_semaphore(%run_scoped3A : memref<!tpu.dma_semaphore, #tpu.memory_space<semaphore_mem>>)
      %dma_wait3A = arith.constant 0 : i32
      %dma_wait3A_12 = tpu.memref_slice %arg10[%mul3A_2, %dma_wait3A] : memref<10240x128xf32, #tpu.memory_space<vmem_shared>> -> memref<640x128xf32, #tpu.memory_space<vmem_shared>>
      %dma_wait3A_13 = arith.constant 0 : i32
      %dma_wait3A_14 = tpu.memref_slice %arg5[%mul3A_2, %dma_wait3A_13] : memref<10240x128xf32, #tpu.memory_space<hbm>> -> memref<640x128xf32, #tpu.memory_space<hbm>>
      tpu.wait_dma2 semaphore(%run_scoped3A : memref<!tpu.dma_semaphore, #tpu.memory_space<semaphore_mem>>) src(%dma_wait3A_14 : memref<640x128xf32, #tpu.memory_space<hbm>>) dst(%dma_wait3A_12 : memref<640x128xf32, #tpu.memory_space<vmem_shared>>)
      tpu.yield
    }) : () -> ()
    "tpu.region"() ({
      %run_scoped3A = tpu.sem_alloc : memref<!tpu.dma_semaphore, #tpu.memory_space<semaphore_mem>>
      %dma_start3A = arith.constant 0 : i32
      %dma_start3A_9 = arith.constant 0 : i32
      %dma_start3A_10 = tpu.memref_slice %arg3[%add3A, %dma_start3A, %dma_start3A_9] : memref<32x79x128xi32, #tpu.memory_space<hbm>> -> memref<1x79x128xi32, #tpu.memory_space<hbm>>
      %dma_start3A_11 = tpu.memref_squeeze %dma_start3A_10 : memref<1x79x128xi32, #tpu.memory_space<hbm>> -> memref<79x128xi32, #tpu.memory_space<hbm>>
      %dma_start3A_12 = arith.constant 0 : i32
      %dma_start3A_13 = arith.constant 0 : i32
      %dma_start3A_14 = tpu.memref_slice %arg3[%add3A, %dma_start3A_12, %dma_start3A_13] : memref<32x79x128xi32, #tpu.memory_space<hbm>> -> memref<1x79x128xi32, #tpu.memory_space<hbm>>
      %dma_start3A_15 = tpu.memref_squeeze %dma_start3A_14 : memref<1x79x128xi32, #tpu.memory_space<hbm>> -> memref<79x128xi32, #tpu.memory_space<hbm>>
      tpu.enqueue_dma source(%dma_start3A_15 : memref<79x128xi32, #tpu.memory_space<hbm>>) target(%arg7 : memref<79x128xi32, #tpu.memory_space<vmem>>) target_semaphore(%run_scoped3A : memref<!tpu.dma_semaphore, #tpu.memory_space<semaphore_mem>>)
      %dma_wait3A = arith.constant 0 : i32
      %dma_wait3A_16 = arith.constant 0 : i32
      %dma_wait3A_17 = tpu.memref_slice %arg3[%add3A, %dma_wait3A, %dma_wait3A_16] : memref<32x79x128xi32, #tpu.memory_space<hbm>> -> memref<1x79x128xi32, #tpu.memory_space<hbm>>
      %dma_wait3A_18 = tpu.memref_squeeze %dma_wait3A_17 : memref<1x79x128xi32, #tpu.memory_space<hbm>> -> memref<79x128xi32, #tpu.memory_space<hbm>>
      %dma_wait3A_19 = arith.constant 0 : i32
      %dma_wait3A_20 = arith.constant 0 : i32
      %dma_wait3A_21 = tpu.memref_slice %arg3[%add3A, %dma_wait3A_19, %dma_wait3A_20] : memref<32x79x128xi32, #tpu.memory_space<hbm>> -> memref<1x79x128xi32, #tpu.memory_space<hbm>>
      %dma_wait3A_22 = tpu.memref_squeeze %dma_wait3A_21 : memref<1x79x128xi32, #tpu.memory_space<hbm>> -> memref<79x128xi32, #tpu.memory_space<hbm>>
      tpu.wait_dma2 semaphore(%run_scoped3A : memref<!tpu.dma_semaphore, #tpu.memory_space<semaphore_mem>>) src(%dma_wait3A_22 : memref<79x128xi32, #tpu.memory_space<hbm>>) dst(%arg7 : memref<79x128xi32, #tpu.memory_space<vmem>>)
      tpu.yield
    }) : () -> ()
    "tpu.region"() ({
      %run_scoped3A = tpu.sem_alloc : memref<!tpu.dma_semaphore, #tpu.memory_space<semaphore_mem>>
      %dma_start3A = arith.constant 0 : i32
      %dma_start3A_9 = arith.constant 0 : i32
      %dma_start3A_10 = tpu.memref_slice %arg4[%add3A, %dma_start3A, %dma_start3A_9] : memref<32x79x128xi32, #tpu.memory_space<hbm>> -> memref<1x79x128xi32, #tpu.memory_space<hbm>>
      %dma_start3A_11 = tpu.memref_squeeze %dma_start3A_10 : memref<1x79x128xi32, #tpu.memory_space<hbm>> -> memref<79x128xi32, #tpu.memory_space<hbm>>
      %dma_start3A_12 = arith.constant 0 : i32
      %dma_start3A_13 = arith.constant 0 : i32
      %dma_start3A_14 = tpu.memref_slice %arg4[%add3A, %dma_start3A_12, %dma_start3A_13] : memref<32x79x128xi32, #tpu.memory_space<hbm>> -> memref<1x79x128xi32, #tpu.memory_space<hbm>>
      %dma_start3A_15 = tpu.memref_squeeze %dma_start3A_14 : memref<1x79x128xi32, #tpu.memory_space<hbm>> -> memref<79x128xi32, #tpu.memory_space<hbm>>
      tpu.enqueue_dma source(%dma_start3A_15 : memref<79x128xi32, #tpu.memory_space<hbm>>) target(%arg8 : memref<79x128xi32, #tpu.memory_space<vmem>>) target_semaphore(%run_scoped3A : memref<!tpu.dma_semaphore, #tpu.memory_space<semaphore_mem>>)
      %dma_wait3A = arith.constant 0 : i32
      %dma_wait3A_16 = arith.constant 0 : i32
      %dma_wait3A_17 = tpu.memref_slice %arg4[%add3A, %dma_wait3A, %dma_wait3A_16] : memref<32x79x128xi32, #tpu.memory_space<hbm>> -> memref<1x79x128xi32, #tpu.memory_space<hbm>>
      %dma_wait3A_18 = tpu.memref_squeeze %dma_wait3A_17 : memref<1x79x128xi32, #tpu.memory_space<hbm>> -> memref<79x128xi32, #tpu.memory_space<hbm>>
      %dma_wait3A_19 = arith.constant 0 : i32
      %dma_wait3A_20 = arith.constant 0 : i32
      %dma_wait3A_21 = tpu.memref_slice %arg4[%add3A, %dma_wait3A_19, %dma_wait3A_20] : memref<32x79x128xi32, #tpu.memory_space<hbm>> -> memref<1x79x128xi32, #tpu.memory_space<hbm>>
      %dma_wait3A_22 = tpu.memref_squeeze %dma_wait3A_21 : memref<1x79x128xi32, #tpu.memory_space<hbm>> -> memref<79x128xi32, #tpu.memory_space<hbm>>
      tpu.wait_dma2 semaphore(%run_scoped3A : memref<!tpu.dma_semaphore, #tpu.memory_space<semaphore_mem>>) src(%dma_wait3A_22 : memref<79x128xi32, #tpu.memory_space<hbm>>) dst(%arg8 : memref<79x128xi32, #tpu.memory_space<vmem>>)
      tpu.yield
    }) : () -> ()
    %barrier3A = arith.constant 0 : index
    tpu.barrier barrier_id(%barrier3A)
    %scan3A = arith.constant 0 : i32
    %scan3A_3 = arith.constant 0 : i32
    %scan3A_4 = arith.constant 79 : i32
    %scan3A_5 = arith.addi %scan3A_3, %scan3A_4 : i32
    %scan3A_6 = arith.constant 1 : i32
    scf.for %scan3A_9 = %scan3A_3 to %scan3A_5 step %scan3A_6  : i32 {
      %dma_start3A = arith.constant 0 : i32
      %dma_start3A_10 = tpu.memref_slice %arg7[%scan3A_9, %dma_start3A] : memref<79x128xi32, #tpu.memory_space<vmem>> -> memref<1x128xi32, #tpu.memory_space<vmem>>
      %dma_start3A_11 = tpu.memref_squeeze %dma_start3A_10 : memref<1x128xi32, #tpu.memory_space<vmem>> -> memref<128xi32, #tpu.memory_space<vmem>>
      %dma_start3A_12 = arith.constant 0 : i32
      %dma_start3A_13 = arith.constant 0 : i32
      %dma_start3A_14 = tpu.memref_slice %arg2[%dma_start3A_12, %dma_start3A_13] : memref<10240x128xf32, #tpu.memory_space<hbm>> -> memref<10240x128xf32, #tpu.memory_space<hbm>>
      tpu.enqueue_indirect_dma source(%dma_start3A_14 : memref<10240x128xf32, #tpu.memory_space<hbm>>) target(%arg9 : memref<128x128xf32, #tpu.memory_space<vmem>>) offsets(%dma_start3A_11 : memref<128xi32, #tpu.memory_space<vmem>>) semaphore(%arg11 : memref<!tpu.dma_semaphore, #tpu.memory_space<semaphore_mem>>)
      %dma_wait3A = arith.constant 0 : i32
      %dma_wait3A_15 = tpu.memref_slice %arg7[%scan3A_9, %dma_wait3A] : memref<79x128xi32, #tpu.memory_space<vmem>> -> memref<1x128xi32, #tpu.memory_space<vmem>>
      %dma_wait3A_16 = tpu.memref_squeeze %dma_wait3A_15 : memref<1x128xi32, #tpu.memory_space<vmem>> -> memref<128xi32, #tpu.memory_space<vmem>>
      %dma_wait3A_17 = arith.constant 0 : i32
      %dma_wait3A_18 = arith.constant 0 : i32
      %dma_wait3A_19 = tpu.memref_slice %arg2[%dma_wait3A_17, %dma_wait3A_18] : memref<10240x128xf32, #tpu.memory_space<hbm>> -> memref<10240x128xf32, #tpu.memory_space<hbm>>
      tpu.wait_indirect_dma semaphore(%arg11 : memref<!tpu.dma_semaphore, #tpu.memory_space<semaphore_mem>>) src(%dma_wait3A_19 : memref<10240x128xf32, #tpu.memory_space<hbm>>) dst(%arg9 : memref<128x128xf32, #tpu.memory_space<vmem>>)
      "tpu.region"() ({
        %run_scoped3A = tpu.sem_alloc : memref<!tpu.dma_semaphore, #tpu.memory_space<semaphore_mem>>
        %dma_start3A_20 = arith.constant 0 : i32
        %dma_start3A_21 = tpu.memref_slice %arg8[%scan3A_9, %dma_start3A_20] : memref<79x128xi32, #tpu.memory_space<vmem>> -> memref<1x128xi32, #tpu.memory_space<vmem>>
        %dma_start3A_22 = tpu.memref_squeeze %dma_start3A_21 : memref<1x128xi32, #tpu.memory_space<vmem>> -> memref<128xi32, #tpu.memory_space<vmem>>
        %dma_start3A_23 = arith.constant 0 : i32
        %dma_start3A_24 = arith.constant 0 : i32
        %dma_start3A_25 = tpu.memref_slice %arg10[%dma_start3A_23, %dma_start3A_24] : memref<10240x128xf32, #tpu.memory_space<vmem_shared>> -> memref<10240x128xf32, #tpu.memory_space<vmem_shared>>
        tpu.enqueue_indirect_dma source(%arg9 : memref<128x128xf32, #tpu.memory_space<vmem>>) target(%dma_start3A_25 : memref<10240x128xf32, #tpu.memory_space<vmem_shared>>) offsets(%dma_start3A_22 : memref<128xi32, #tpu.memory_space<vmem>>) semaphore(%run_scoped3A : memref<!tpu.dma_semaphore, #tpu.memory_space<semaphore_mem>>) {add = true}
        %dma_wait3A_26 = arith.constant 0 : i32
        %dma_wait3A_27 = tpu.memref_slice %arg8[%scan3A_9, %dma_wait3A_26] : memref<79x128xi32, #tpu.memory_space<vmem>> -> memref<1x128xi32, #tpu.memory_space<vmem>>
        %dma_wait3A_28 = tpu.memref_squeeze %dma_wait3A_27 : memref<1x128xi32, #tpu.memory_space<vmem>> -> memref<128xi32, #tpu.memory_space<vmem>>
        %dma_wait3A_29 = arith.constant 0 : i32
        %dma_wait3A_30 = arith.constant 0 : i32
        %dma_wait3A_31 = tpu.memref_slice %arg10[%dma_wait3A_29, %dma_wait3A_30] : memref<10240x128xf32, #tpu.memory_space<vmem_shared>> -> memref<10240x128xf32, #tpu.memory_space<vmem_shared>>
        tpu.wait_indirect_dma semaphore(%run_scoped3A : memref<!tpu.dma_semaphore, #tpu.memory_space<semaphore_mem>>) src(%arg9 : memref<128x128xf32, #tpu.memory_space<vmem>>) dst(%dma_wait3A_31 : memref<10240x128xf32, #tpu.memory_space<vmem_shared>>)
        tpu.yield
      }) : () -> ()
    }
    %scan3A_7 = arith.constant 79 : i32
    %barrier3A_8 = arith.constant 0 : index
    tpu.barrier barrier_id(%barrier3A_8)
    "tpu.region"() ({
      %run_scoped3A = tpu.sem_alloc : memref<!tpu.dma_semaphore, #tpu.memory_space<semaphore_mem>>
      %dma_start3A = arith.constant 0 : i32
      %dma_start3A_9 = tpu.memref_slice %arg6[%arg0, %mul3A_2, %dma_start3A] : memref<2x10240x128xf32, #tpu.memory_space<hbm>> -> memref<1x640x128xf32, #tpu.memory_space<hbm>>
      %dma_start3A_10 = tpu.memref_squeeze %dma_start3A_9 : memref<1x640x128xf32, #tpu.memory_space<hbm>> -> memref<640x128xf32, #tpu.memory_space<hbm>>
      %dma_start3A_11 = arith.constant 0 : i32
      %dma_start3A_12 = tpu.memref_slice %arg10[%mul3A_2, %dma_start3A_11] : memref<10240x128xf32, #tpu.memory_space<vmem_shared>> -> memref<640x128xf32, #tpu.memory_space<vmem_shared>>
      tpu.enqueue_dma source(%dma_start3A_12 : memref<640x128xf32, #tpu.memory_space<vmem_shared>>) target(%dma_start3A_10 : memref<640x128xf32, #tpu.memory_space<hbm>>) target_semaphore(%run_scoped3A : memref<!tpu.dma_semaphore, #tpu.memory_space<semaphore_mem>>)
      %dma_wait3A = arith.constant 0 : i32
      %dma_wait3A_13 = tpu.memref_slice %arg6[%arg0, %mul3A_2, %dma_wait3A] : memref<2x10240x128xf32, #tpu.memory_space<hbm>> -> memref<1x640x128xf32, #tpu.memory_space<hbm>>
      %dma_wait3A_14 = tpu.memref_squeeze %dma_wait3A_13 : memref<1x640x128xf32, #tpu.memory_space<hbm>> -> memref<640x128xf32, #tpu.memory_space<hbm>>
      %dma_wait3A_15 = arith.constant 0 : i32
      %dma_wait3A_16 = tpu.memref_slice %arg10[%mul3A_2, %dma_wait3A_15] : memref<10240x128xf32, #tpu.memory_space<vmem_shared>> -> memref<640x128xf32, #tpu.memory_space<vmem_shared>>
      tpu.wait_dma2 semaphore(%run_scoped3A : memref<!tpu.dma_semaphore, #tpu.memory_space<semaphore_mem>>) src(%dma_wait3A_16 : memref<640x128xf32, #tpu.memory_space<vmem_shared>>) dst(%dma_wait3A_14 : memref<640x128xf32, #tpu.memory_space<hbm>>)
      tpu.yield
    }) : () -> ()
    return
  }
}

#map = affine_map<(d0, d1) -> (0, 0)>
#map1 = affine_map<(d0, d1) -> (0, 0, 0)>
module attributes {stable_mosaic.version = 14 : i64} {
  func.func @_agg_body(%arg0: i32, %arg1: i32, %arg2: memref<10240x128xf32, #tpu.memory_space<hbm>>, %arg3: memref<32x79x128xi32, #tpu.memory_space<hbm>>, %arg4: memref<32x79x128xi32, #tpu.memory_space<hbm>>, %arg5: memref<10240x128xf32, #tpu.memory_space<hbm>>, %arg6: memref<2x10240x128xf32, #tpu.memory_space<hbm>>, %arg7: memref<79x128xi32, #tpu.memory_space<vmem>>, %arg8: memref<79x128xi32, #tpu.memory_space<vmem>>, %arg9: memref<128x128xf32, #tpu.memory_space<vmem>>, %arg10: memref<10240x128xf32, #tpu.memory_space<vmem_shared>>, %arg11: memref<!tpu.dma_semaphore, #tpu.memory_space<semaphore_mem>>) attributes {dimension_semantics = [#tpu.dimension_semantics<core_parallel>, #tpu.dimension_semantics<subcore_parallel>], iteration_bounds = array<i64: 2, 16>, scalar_prefetch = 0 : i64, scratch_operands = 5 : i64, tpu.core_type = #tpu.core_type<sc_vector_subcore>, window_params = [{transform_indices = #map}, {transform_indices = #map1}, {transform_indices = #map1}, {transform_indices = #map}, {transform_indices = #map1}]} {
    %mul3A = arith.constant 2 : i32
    %mul3A_0 = arith.muli %arg1, %mul3A : i32
    %add3A = arith.addi %mul3A_0, %arg0 : i32
    %mul3A_1 = arith.constant 640 : i32
    %mul3A_2 = arith.muli %arg1, %mul3A_1 : i32
    "tpu.region"() ({
      %run_scoped3A = tpu.sem_alloc : memref<!tpu.dma_semaphore, #tpu.memory_space<semaphore_mem>>
      %dma_start3A = arith.constant 0 : i32
      %dma_start3A_9 = tpu.memref_slice %arg10[%mul3A_2, %dma_start3A] : memref<10240x128xf32, #tpu.memory_space<vmem_shared>> -> memref<640x128xf32, #tpu.memory_space<vmem_shared>>
      %dma_start3A_10 = arith.constant 0 : i32
      %dma_start3A_11 = tpu.memref_slice %arg5[%mul3A_2, %dma_start3A_10] : memref<10240x128xf32, #tpu.memory_space<hbm>> -> memref<640x128xf32, #tpu.memory_space<hbm>>
      tpu.enqueue_dma source(%dma_start3A_11 : memref<640x128xf32, #tpu.memory_space<hbm>>) target(%dma_start3A_9 : memref<640x128xf32, #tpu.memory_space<vmem_shared>>) target_semaphore(%run_scoped3A : memref<!tpu.dma_semaphore, #tpu.memory_space<semaphore_mem>>)
      %dma_wait3A = arith.constant 0 : i32
      %dma_wait3A_12 = tpu.memref_slice %arg10[%mul3A_2, %dma_wait3A] : memref<10240x128xf32, #tpu.memory_space<vmem_shared>> -> memref<640x128xf32, #tpu.memory_space<vmem_shared>>
      %dma_wait3A_13 = arith.constant 0 : i32
      %dma_wait3A_14 = tpu.memref_slice %arg5[%mul3A_2, %dma_wait3A_13] : memref<10240x128xf32, #tpu.memory_space<hbm>> -> memref<640x128xf32, #tpu.memory_space<hbm>>
      tpu.wait_dma2 semaphore(%run_scoped3A : memref<!tpu.dma_semaphore, #tpu.memory_space<semaphore_mem>>) src(%dma_wait3A_14 : memref<640x128xf32, #tpu.memory_space<hbm>>) dst(%dma_wait3A_12 : memref<640x128xf32, #tpu.memory_space<vmem_shared>>)
      tpu.yield
    }) : () -> ()
    "tpu.region"() ({
      %run_scoped3A = tpu.sem_alloc : memref<!tpu.dma_semaphore, #tpu.memory_space<semaphore_mem>>
      %dma_start3A = arith.constant 0 : i32
      %dma_start3A_9 = arith.constant 0 : i32
      %dma_start3A_10 = tpu.memref_slice %arg3[%add3A, %dma_start3A, %dma_start3A_9] : memref<32x79x128xi32, #tpu.memory_space<hbm>> -> memref<1x79x128xi32, #tpu.memory_space<hbm>>
      %dma_start3A_11 = tpu.memref_squeeze %dma_start3A_10 : memref<1x79x128xi32, #tpu.memory_space<hbm>> -> memref<79x128xi32, #tpu.memory_space<hbm>>
      %dma_start3A_12 = arith.constant 0 : i32
      %dma_start3A_13 = arith.constant 0 : i32
      %dma_start3A_14 = tpu.memref_slice %arg3[%add3A, %dma_start3A_12, %dma_start3A_13] : memref<32x79x128xi32, #tpu.memory_space<hbm>> -> memref<1x79x128xi32, #tpu.memory_space<hbm>>
      %dma_start3A_15 = tpu.memref_squeeze %dma_start3A_14 : memref<1x79x128xi32, #tpu.memory_space<hbm>> -> memref<79x128xi32, #tpu.memory_space<hbm>>
      tpu.enqueue_dma source(%dma_start3A_15 : memref<79x128xi32, #tpu.memory_space<hbm>>) target(%arg7 : memref<79x128xi32, #tpu.memory_space<vmem>>) target_semaphore(%run_scoped3A : memref<!tpu.dma_semaphore, #tpu.memory_space<semaphore_mem>>)
      %dma_wait3A = arith.constant 0 : i32
      %dma_wait3A_16 = arith.constant 0 : i32
      %dma_wait3A_17 = tpu.memref_slice %arg3[%add3A, %dma_wait3A, %dma_wait3A_16] : memref<32x79x128xi32, #tpu.memory_space<hbm>> -> memref<1x79x128xi32, #tpu.memory_space<hbm>>
      %dma_wait3A_18 = tpu.memref_squeeze %dma_wait3A_17 : memref<1x79x128xi32, #tpu.memory_space<hbm>> -> memref<79x128xi32, #tpu.memory_space<hbm>>
      %dma_wait3A_19 = arith.constant 0 : i32
      %dma_wait3A_20 = arith.constant 0 : i32
      %dma_wait3A_21 = tpu.memref_slice %arg3[%add3A, %dma_wait3A_19, %dma_wait3A_20] : memref<32x79x128xi32, #tpu.memory_space<hbm>> -> memref<1x79x128xi32, #tpu.memory_space<hbm>>
      %dma_wait3A_22 = tpu.memref_squeeze %dma_wait3A_21 : memref<1x79x128xi32, #tpu.memory_space<hbm>> -> memref<79x128xi32, #tpu.memory_space<hbm>>
      tpu.wait_dma2 semaphore(%run_scoped3A : memref<!tpu.dma_semaphore, #tpu.memory_space<semaphore_mem>>) src(%dma_wait3A_22 : memref<79x128xi32, #tpu.memory_space<hbm>>) dst(%arg7 : memref<79x128xi32, #tpu.memory_space<vmem>>)
      tpu.yield
    }) : () -> ()
    "tpu.region"() ({
      %run_scoped3A = tpu.sem_alloc : memref<!tpu.dma_semaphore, #tpu.memory_space<semaphore_mem>>
      %dma_start3A = arith.constant 0 : i32
      %dma_start3A_9 = arith.constant 0 : i32
      %dma_start3A_10 = tpu.memref_slice %arg4[%add3A, %dma_start3A, %dma_start3A_9] : memref<32x79x128xi32, #tpu.memory_space<hbm>> -> memref<1x79x128xi32, #tpu.memory_space<hbm>>
      %dma_start3A_11 = tpu.memref_squeeze %dma_start3A_10 : memref<1x79x128xi32, #tpu.memory_space<hbm>> -> memref<79x128xi32, #tpu.memory_space<hbm>>
      %dma_start3A_12 = arith.constant 0 : i32
      %dma_start3A_13 = arith.constant 0 : i32
      %dma_start3A_14 = tpu.memref_slice %arg4[%add3A, %dma_start3A_12, %dma_start3A_13] : memref<32x79x128xi32, #tpu.memory_space<hbm>> -> memref<1x79x128xi32, #tpu.memory_space<hbm>>
      %dma_start3A_15 = tpu.memref_squeeze %dma_start3A_14 : memref<1x79x128xi32, #tpu.memory_space<hbm>> -> memref<79x128xi32, #tpu.memory_space<hbm>>
      tpu.enqueue_dma source(%dma_start3A_15 : memref<79x128xi32, #tpu.memory_space<hbm>>) target(%arg8 : memref<79x128xi32, #tpu.memory_space<vmem>>) target_semaphore(%run_scoped3A : memref<!tpu.dma_semaphore, #tpu.memory_space<semaphore_mem>>)
      %dma_wait3A = arith.constant 0 : i32
      %dma_wait3A_16 = arith.constant 0 : i32
      %dma_wait3A_17 = tpu.memref_slice %arg4[%add3A, %dma_wait3A, %dma_wait3A_16] : memref<32x79x128xi32, #tpu.memory_space<hbm>> -> memref<1x79x128xi32, #tpu.memory_space<hbm>>
      %dma_wait3A_18 = tpu.memref_squeeze %dma_wait3A_17 : memref<1x79x128xi32, #tpu.memory_space<hbm>> -> memref<79x128xi32, #tpu.memory_space<hbm>>
      %dma_wait3A_19 = arith.constant 0 : i32
      %dma_wait3A_20 = arith.constant 0 : i32
      %dma_wait3A_21 = tpu.memref_slice %arg4[%add3A, %dma_wait3A_19, %dma_wait3A_20] : memref<32x79x128xi32, #tpu.memory_space<hbm>> -> memref<1x79x128xi32, #tpu.memory_space<hbm>>
      %dma_wait3A_22 = tpu.memref_squeeze %dma_wait3A_21 : memref<1x79x128xi32, #tpu.memory_space<hbm>> -> memref<79x128xi32, #tpu.memory_space<hbm>>
      tpu.wait_dma2 semaphore(%run_scoped3A : memref<!tpu.dma_semaphore, #tpu.memory_space<semaphore_mem>>) src(%dma_wait3A_22 : memref<79x128xi32, #tpu.memory_space<hbm>>) dst(%arg8 : memref<79x128xi32, #tpu.memory_space<vmem>>)
      tpu.yield
    }) : () -> ()
    %barrier3A = arith.constant 0 : index
    tpu.barrier barrier_id(%barrier3A)
    %scan3A = arith.constant 0 : i32
    %scan3A_3 = arith.constant 0 : i32
    %scan3A_4 = arith.constant 79 : i32
    %scan3A_5 = arith.addi %scan3A_3, %scan3A_4 : i32
    %scan3A_6 = arith.constant 1 : i32
    scf.for %scan3A_9 = %scan3A_3 to %scan3A_5 step %scan3A_6  : i32 {
      %dma_start3A = arith.constant 0 : i32
      %dma_start3A_10 = tpu.memref_slice %arg7[%scan3A_9, %dma_start3A] : memref<79x128xi32, #tpu.memory_space<vmem>> -> memref<1x128xi32, #tpu.memory_space<vmem>>
      %dma_start3A_11 = tpu.memref_squeeze %dma_start3A_10 : memref<1x128xi32, #tpu.memory_space<vmem>> -> memref<128xi32, #tpu.memory_space<vmem>>
      %dma_start3A_12 = arith.constant 0 : i32
      %dma_start3A_13 = arith.constant 0 : i32
      %dma_start3A_14 = tpu.memref_slice %arg2[%dma_start3A_12, %dma_start3A_13] : memref<10240x128xf32, #tpu.memory_space<hbm>> -> memref<10240x128xf32, #tpu.memory_space<hbm>>
      tpu.enqueue_indirect_dma source(%dma_start3A_14 : memref<10240x128xf32, #tpu.memory_space<hbm>>) target(%arg9 : memref<128x128xf32, #tpu.memory_space<vmem>>) offsets(%dma_start3A_11 : memref<128xi32, #tpu.memory_space<vmem>>) semaphore(%arg11 : memref<!tpu.dma_semaphore, #tpu.memory_space<semaphore_mem>>)
      %dma_wait3A = arith.constant 0 : i32
      %dma_wait3A_15 = tpu.memref_slice %arg7[%scan3A_9, %dma_wait3A] : memref<79x128xi32, #tpu.memory_space<vmem>> -> memref<1x128xi32, #tpu.memory_space<vmem>>
      %dma_wait3A_16 = tpu.memref_squeeze %dma_wait3A_15 : memref<1x128xi32, #tpu.memory_space<vmem>> -> memref<128xi32, #tpu.memory_space<vmem>>
      %dma_wait3A_17 = arith.constant 0 : i32
      %dma_wait3A_18 = arith.constant 0 : i32
      %dma_wait3A_19 = tpu.memref_slice %arg2[%dma_wait3A_17, %dma_wait3A_18] : memref<10240x128xf32, #tpu.memory_space<hbm>> -> memref<10240x128xf32, #tpu.memory_space<hbm>>
      tpu.wait_indirect_dma semaphore(%arg11 : memref<!tpu.dma_semaphore, #tpu.memory_space<semaphore_mem>>) src(%dma_wait3A_19 : memref<10240x128xf32, #tpu.memory_space<hbm>>) dst(%arg9 : memref<128x128xf32, #tpu.memory_space<vmem>>)
      "tpu.region"() ({
        %run_scoped3A = tpu.sem_alloc : memref<!tpu.dma_semaphore, #tpu.memory_space<semaphore_mem>>
        %dma_start3A_20 = arith.constant 0 : i32
        %dma_start3A_21 = tpu.memref_slice %arg8[%scan3A_9, %dma_start3A_20] : memref<79x128xi32, #tpu.memory_space<vmem>> -> memref<1x128xi32, #tpu.memory_space<vmem>>
        %dma_start3A_22 = tpu.memref_squeeze %dma_start3A_21 : memref<1x128xi32, #tpu.memory_space<vmem>> -> memref<128xi32, #tpu.memory_space<vmem>>
        %dma_start3A_23 = arith.constant 0 : i32
        %dma_start3A_24 = arith.constant 0 : i32
        %dma_start3A_25 = tpu.memref_slice %arg10[%dma_start3A_23, %dma_start3A_24] : memref<10240x128xf32, #tpu.memory_space<vmem_shared>> -> memref<10240x128xf32, #tpu.memory_space<vmem_shared>>
        tpu.enqueue_indirect_dma source(%arg9 : memref<128x128xf32, #tpu.memory_space<vmem>>) target(%dma_start3A_25 : memref<10240x128xf32, #tpu.memory_space<vmem_shared>>) offsets(%dma_start3A_22 : memref<128xi32, #tpu.memory_space<vmem>>) semaphore(%run_scoped3A : memref<!tpu.dma_semaphore, #tpu.memory_space<semaphore_mem>>) {add = true}
        %dma_wait3A_26 = arith.constant 0 : i32
        %dma_wait3A_27 = tpu.memref_slice %arg8[%scan3A_9, %dma_wait3A_26] : memref<79x128xi32, #tpu.memory_space<vmem>> -> memref<1x128xi32, #tpu.memory_space<vmem>>
        %dma_wait3A_28 = tpu.memref_squeeze %dma_wait3A_27 : memref<1x128xi32, #tpu.memory_space<vmem>> -> memref<128xi32, #tpu.memory_space<vmem>>
        %dma_wait3A_29 = arith.constant 0 : i32
        %dma_wait3A_30 = arith.constant 0 : i32
        %dma_wait3A_31 = tpu.memref_slice %arg10[%dma_wait3A_29, %dma_wait3A_30] : memref<10240x128xf32, #tpu.memory_space<vmem_shared>> -> memref<10240x128xf32, #tpu.memory_space<vmem_shared>>
        tpu.wait_indirect_dma semaphore(%run_scoped3A : memref<!tpu.dma_semaphore, #tpu.memory_space<semaphore_mem>>) src(%arg9 : memref<128x128xf32, #tpu.memory_space<vmem>>) dst(%dma_wait3A_31 : memref<10240x128xf32, #tpu.memory_space<vmem_shared>>)
        tpu.yield
      }) : () -> ()
    }
    %scan3A_7 = arith.constant 79 : i32
    %barrier3A_8 = arith.constant 0 : index
    tpu.barrier barrier_id(%barrier3A_8)
    "tpu.region"() ({
      %run_scoped3A = tpu.sem_alloc : memref<!tpu.dma_semaphore, #tpu.memory_space<semaphore_mem>>
      %dma_start3A = arith.constant 0 : i32
      %dma_start3A_9 = tpu.memref_slice %arg6[%arg0, %mul3A_2, %dma_start3A] : memref<2x10240x128xf32, #tpu.memory_space<hbm>> -> memref<1x640x128xf32, #tpu.memory_space<hbm>>
      %dma_start3A_10 = tpu.memref_squeeze %dma_start3A_9 : memref<1x640x128xf32, #tpu.memory_space<hbm>> -> memref<640x128xf32, #tpu.memory_space<hbm>>
      %dma_start3A_11 = arith.constant 0 : i32
      %dma_start3A_12 = tpu.memref_slice %arg10[%mul3A_2, %dma_start3A_11] : memref<10240x128xf32, #tpu.memory_space<vmem_shared>> -> memref<640x128xf32, #tpu.memory_space<vmem_shared>>
      tpu.enqueue_dma source(%dma_start3A_12 : memref<640x128xf32, #tpu.memory_space<vmem_shared>>) target(%dma_start3A_10 : memref<640x128xf32, #tpu.memory_space<hbm>>) target_semaphore(%run_scoped3A : memref<!tpu.dma_semaphore, #tpu.memory_space<semaphore_mem>>)
      %dma_wait3A = arith.constant 0 : i32
      %dma_wait3A_13 = tpu.memref_slice %arg6[%arg0, %mul3A_2, %dma_wait3A] : memref<2x10240x128xf32, #tpu.memory_space<hbm>> -> memref<1x640x128xf32, #tpu.memory_space<hbm>>
      %dma_wait3A_14 = tpu.memref_squeeze %dma_wait3A_13 : memref<1x640x128xf32, #tpu.memory_space<hbm>> -> memref<640x128xf32, #tpu.memory_space<hbm>>
      %dma_wait3A_15 = arith.constant 0 : i32
      %dma_wait3A_16 = tpu.memref_slice %arg10[%mul3A_2, %dma_wait3A_15] : memref<10240x128xf32, #tpu.memory_space<vmem_shared>> -> memref<640x128xf32, #tpu.memory_space<vmem_shared>>
      tpu.wait_dma2 semaphore(%run_scoped3A : memref<!tpu.dma_semaphore, #tpu.memory_space<semaphore_mem>>) src(%dma_wait3A_16 : memref<640x128xf32, #tpu.memory_space<vmem_shared>>) dst(%dma_wait3A_14 : memref<640x128xf32, #tpu.memory_space<hbm>>)
      tpu.yield
    }) : () -> ()
    return
  }
}

module attributes {stable_mosaic.version = 14 : i64} {
  func.func @_prep_body(%arg0: i32, %arg1: memref<1280x128xf32, #tpu.memory_space<vmem>>, %arg2: memref<1280x128xf32, #tpu.memory_space<vmem>>, %arg3: memref<1280x128xf32, #tpu.memory_space<vmem>>, %arg4: memref<1280x128xf32, #tpu.memory_space<vmem>>, %arg5: memref<1280x128xf32, #tpu.memory_space<vmem>>, %arg6: memref<128x128xf32, #tpu.memory_space<vmem>>, %arg7: memref<1280x16xf32, #tpu.memory_space<vmem>>, %arg8: memref<1280x16xf32, #tpu.memory_space<vmem>>, %arg9: memref<1280x128xf32, #tpu.memory_space<vmem>>) attributes {dimension_semantics = [#tpu.dimension_semantics<arbitrary>], iteration_bounds = array<i64: 8>, scalar_prefetch = 0 : i64, scratch_operands = 0 : i64, tpu.core_type = #tpu.core_type<tc>, window_params = [{transform_indices = @transform_0, window_bounds = array<i64: 1280, 128>}, {transform_indices = @transform_1, window_bounds = array<i64: 1280, 128>}, {transform_indices = @transform_2, window_bounds = array<i64: 1280, 128>}, {transform_indices = @transform_3, window_bounds = array<i64: 1280, 128>}, {transform_indices = @transform_4, window_bounds = array<i64: 1280, 128>}, {pipeline_mode = #tpu.pipeline_mode<synchronous>, transform_indices = @transform_5, window_bounds = array<i64: 128, 128>}, {transform_indices = @transform_6, window_bounds = array<i64: 1280, 16>}, {transform_indices = @transform_7, window_bounds = array<i64: 1280, 16>}, {transform_indices = @transform_8, window_bounds = array<i64: 1280, 128>}]} {
    %get3A = arith.constant 0 : index
    %get3A_0 = arith.constant 0 : index
    %get3A_1 = vector.load %arg1[%get3A, %get3A_0] : memref<1280x128xf32, #tpu.memory_space<vmem>>, vector<1280x1xf32>
    %get3A_2 = arith.constant 0 : index
    %get3A_3 = arith.constant 0 : index
    %get3A_4 = vector.load %arg2[%get3A_2, %get3A_3] : memref<1280x128xf32, #tpu.memory_space<vmem>>, vector<1280x1xf32>
    %add3A = arith.addf %get3A_1, %get3A_4 : vector<1280x1xf32>
    %add3A_5 = arith.constant 1.000000e+00 : f32
    %add3A_6 = vector.broadcast %add3A_5 : f32 to vector<1280x1xf32>
    %add3A_7 = arith.addf %add3A, %add3A_6 : vector<1280x1xf32>
    %rsqrt3A = math.rsqrt %add3A_7 : vector<1280x1xf32>
    %get3A_8 = arith.constant 0 : index
    %get3A_9 = arith.constant 0 : index
    %get3A_10 = vector.load %arg3[%get3A_8, %get3A_9] : memref<1280x128xf32, #tpu.memory_space<vmem>>, vector<1280x1xf32>
    %get3A_11 = arith.constant 0 : index
    %get3A_12 = arith.constant 0 : index
    %get3A_13 = vector.load %arg4[%get3A_11, %get3A_12] : memref<1280x128xf32, #tpu.memory_space<vmem>>, vector<1280x1xf32>
    %add3A_14 = arith.addf %get3A_10, %get3A_13 : vector<1280x1xf32>
    %add3A_15 = arith.constant 1.000000e+00 : f32
    %add3A_16 = vector.broadcast %add3A_15 : f32 to vector<1280x1xf32>
    %add3A_17 = arith.addf %add3A_14, %add3A_16 : vector<1280x1xf32>
    %rsqrt3A_18 = math.rsqrt %add3A_17 : vector<1280x1xf32>
    %broadcast_in_dim3A = arith.constant 1.000000e+00 : f32
    %broadcast_in_dim3A_19 = vector.broadcast %broadcast_in_dim3A : f32 to vector<1x16xf32>
    %mul3A = vector.broadcast %rsqrt3A : vector<1280x1xf32> to vector<1280x16xf32>
    %mul3A_20 = vector.broadcast %broadcast_in_dim3A_19 : vector<1x16xf32> to vector<1280x16xf32>
    %mul3A_21 = arith.mulf %mul3A, %mul3A_20 : vector<1280x16xf32>
    %swap3A = arith.constant 0 : index
    %swap3A_22 = arith.constant 0 : index
    %swap3A_23 = vector.load %arg7[%swap3A, %swap3A_22] : memref<1280x16xf32, #tpu.memory_space<vmem>>, vector<1280x16xf32>
    tpu.vector_store %arg7[%swap3A, %swap3A_22], %mul3A_21 {strides = array<i32>} : memref<1280x16xf32, #tpu.memory_space<vmem>>, vector<1280x16xf32>,
    %mul3A_24 = vector.broadcast %rsqrt3A_18 : vector<1280x1xf32> to vector<1280x16xf32>
    %mul3A_25 = vector.broadcast %broadcast_in_dim3A_19 : vector<1x16xf32> to vector<1280x16xf32>
    %mul3A_26 = arith.mulf %mul3A_24, %mul3A_25 : vector<1280x16xf32>
    %swap3A_27 = arith.constant 0 : index
    %swap3A_28 = arith.constant 0 : index
    %swap3A_29 = vector.load %arg8[%swap3A_27, %swap3A_28] : memref<1280x16xf32, #tpu.memory_space<vmem>>, vector<1280x16xf32>
    tpu.vector_store %arg8[%swap3A_27, %swap3A_28], %mul3A_26 {strides = array<i32>} : memref<1280x16xf32, #tpu.memory_space<vmem>>, vector<1280x16xf32>,
    %get3A_30 = arith.constant 0 : index
    %get3A_31 = arith.constant 0 : index
    %get3A_32 = vector.load %arg5[%get3A_30, %get3A_31] : memref<1280x128xf32, #tpu.memory_space<vmem>>, vector<1280x128xf32>
    %mul3A_33 = vector.broadcast %rsqrt3A : vector<1280x1xf32> to vector<1280x128xf32>
    %mul3A_34 = arith.mulf %get3A_32, %mul3A_33 : vector<1280x128xf32>
    %get3A_35 = arith.constant 0 : index
    %get3A_36 = arith.constant 0 : index
    %get3A_37 = vector.load %arg6[%get3A_35, %get3A_36] : memref<128x128xf32, #tpu.memory_space<vmem>>, vector<128x128xf32>
    %dot_general3A = arith.constant dense<0.000000e+00> : vector<1280x128xf32>
    %dot_general3A_38 = tpu.matmul %mul3A_34, %get3A_37, %dot_general3A {dimension_numbers = #tpu.dot_dimension_numbers<[1], [0], [0], [1], [0, 0, 1, 1], [], []>, transpose_lhs_hint = false} : vector<1280x128xf32>, vector<128x128xf32>, vector<1280x128xf32> -> vector<1280x128xf32>
    %swap3A_39 = arith.constant 0 : index
    %swap3A_40 = arith.constant 0 : index
    %swap3A_41 = vector.load %arg9[%swap3A_39, %swap3A_40] : memref<1280x128xf32, #tpu.memory_space<vmem>>, vector<1280x128xf32>
    tpu.vector_store %arg9[%swap3A_39, %swap3A_40], %dot_general3A_38 {strides = array<i32>} : memref<1280x128xf32, #tpu.memory_space<vmem>>, vector<1280x128xf32>,
    return
  }
  func.func @transform_0(%arg0: i32) -> (i32, i32) {
    %c0_i32 = arith.constant 0 : i32
    %c0_i32_0 = arith.constant 0 : i32
    return %arg0, %c0_i32 : i32, i32
  }
  func.func @transform_1(%arg0: i32) -> (i32, i32) {
    %c0_i32 = arith.constant 0 : i32
    %c0_i32_0 = arith.constant 0 : i32
    return %arg0, %c0_i32 : i32, i32
  }
  func.func @transform_2(%arg0: i32) -> (i32, i32) {
    %c0_i32 = arith.constant 0 : i32
    %c0_i32_0 = arith.constant 0 : i32
    return %arg0, %c0_i32 : i32, i32
  }
  func.func @transform_3(%arg0: i32) -> (i32, i32) {
    %c0_i32 = arith.constant 0 : i32
    %c0_i32_0 = arith.constant 0 : i32
    return %arg0, %c0_i32 : i32, i32
  }
  func.func @transform_4(%arg0: i32) -> (i32, i32) {
    %c0_i32 = arith.constant 0 : i32
    %c0_i32_0 = arith.constant 0 : i32
    return %arg0, %c0_i32 : i32, i32
  }
  func.func @transform_5(%arg0: i32) -> (i32, i32) {
    %c0_i32 = arith.constant 0 : i32
    %c0_i32_0 = arith.constant 0 : i32
    %c0_i32_1 = arith.constant 0 : i32
    return %c0_i32, %c0_i32_0 : i32, i32
  }
  func.func @transform_6(%arg0: i32) -> (i32, i32) {
    %c0_i32 = arith.constant 0 : i32
    %c0_i32_0 = arith.constant 0 : i32
    return %arg0, %c0_i32 : i32, i32
  }
  func.func @transform_7(%arg0: i32) -> (i32, i32) {
    %c0_i32 = arith.constant 0 : i32
    %c0_i32_0 = arith.constant 0 : i32
    return %arg0, %c0_i32 : i32, i32
  }
  func.func @transform_8(%arg0: i32) -> (i32, i32) {
    %c0_i32 = arith.constant 0 : i32
    %c0_i32_0 = arith.constant 0 : i32
    return %arg0, %c0_i32 : i32, i32
  }
}

module attributes {stable_mosaic.version = 14 : i64} {
  func.func @_mid_body(%arg0: i32, %arg1: memref<1280x128xf32, #tpu.memory_space<vmem>>, %arg2: memref<1280x128xf32, #tpu.memory_space<vmem>>, %arg3: memref<1280x128xf32, #tpu.memory_space<vmem>>, %arg4: memref<1280x16xf32, #tpu.memory_space<vmem>>, %arg5: memref<1280x16xf32, #tpu.memory_space<vmem>>, %arg6: memref<1x128xf32, #tpu.memory_space<vmem>>, %arg7: memref<128x128xf32, #tpu.memory_space<vmem>>, %arg8: memref<1280x128xf32, #tpu.memory_space<vmem>>, %arg9: memref<1280x128xf32, #tpu.memory_space<vmem>>, %arg10: memref<1280x128xf32, #tpu.memory_space<vmem>>) attributes {dimension_semantics = [#tpu.dimension_semantics<arbitrary>], iteration_bounds = array<i64: 8>, scalar_prefetch = 0 : i64, scratch_operands = 0 : i64, tpu.core_type = #tpu.core_type<tc>, window_params = [{transform_indices = @transform_0, window_bounds = array<i64: 1280, 128>}, {transform_indices = @transform_1, window_bounds = array<i64: 1280, 128>}, {transform_indices = @transform_2, window_bounds = array<i64: 1280, 128>}, {transform_indices = @transform_3, window_bounds = array<i64: 1280, 16>}, {transform_indices = @transform_4, window_bounds = array<i64: 1280, 16>}, {pipeline_mode = #tpu.pipeline_mode<synchronous>, transform_indices = @transform_5, window_bounds = array<i64: 1, 128>}, {pipeline_mode = #tpu.pipeline_mode<synchronous>, transform_indices = @transform_6, window_bounds = array<i64: 128, 128>}, {transform_indices = @transform_7, window_bounds = array<i64: 1280, 128>}, {transform_indices = @transform_8, window_bounds = array<i64: 1280, 128>}, {transform_indices = @transform_9, window_bounds = array<i64: 1280, 128>}]} {
    %get3A = arith.constant 0 : index
    %get3A_0 = arith.constant 0 : index
    %get3A_1 = vector.load %arg1[%get3A, %get3A_0] : memref<1280x128xf32, #tpu.memory_space<vmem>>, vector<1280x128xf32>
    %get3A_2 = arith.constant 0 : index
    %get3A_3 = arith.constant 0 : index
    %get3A_4 = vector.load %arg2[%get3A_2, %get3A_3] : memref<1280x128xf32, #tpu.memory_space<vmem>>, vector<1280x128xf32>
    %add3A = arith.addf %get3A_1, %get3A_4 : vector<1280x128xf32>
    %get3A_5 = arith.constant 0 : index
    %get3A_6 = arith.constant 0 : index
    %get3A_7 = vector.load %arg3[%get3A_5, %get3A_6] : memref<1280x128xf32, #tpu.memory_space<vmem>>, vector<1280x128xf32>
    %add3A_8 = arith.addf %add3A, %get3A_7 : vector<1280x128xf32>
    %get3A_9 = arith.constant 0 : index
    %get3A_10 = arith.constant 0 : index
    %get3A_11 = vector.load %arg4[%get3A_9, %get3A_10] : memref<1280x16xf32, #tpu.memory_space<vmem>>, vector<1280x1xf32>
    %mul3A = vector.broadcast %get3A_11 : vector<1280x1xf32> to vector<1280x128xf32>
    %mul3A_12 = arith.mulf %add3A_8, %mul3A : vector<1280x128xf32>
    %get3A_13 = arith.constant 0 : index
    %get3A_14 = arith.constant 0 : index
    %get3A_15 = vector.load %arg6[%get3A_13, %get3A_14] : memref<1x128xf32, #tpu.memory_space<vmem>>, vector<1x128xf32>
    %add3A_16 = vector.broadcast %get3A_15 : vector<1x128xf32> to vector<1280x128xf32>
    %add3A_17 = arith.addf %mul3A_12, %add3A_16 : vector<1280x128xf32>
    %max3A = arith.constant 0.000000e+00 : f32
    %max3A_18 = vector.broadcast %max3A : f32 to vector<1280x128xf32>
    %max3A_19 = arith.maximumf %add3A_17, %max3A_18 : vector<1280x128xf32>
    %get3A_20 = arith.constant 0 : index
    %get3A_21 = arith.constant 0 : index
    %get3A_22 = vector.load %arg8[%get3A_20, %get3A_21] : memref<1280x128xf32, #tpu.memory_space<vmem>>, vector<1280x128xf32>
    %max3A_23 = arith.maximumf %get3A_22, %max3A_19 : vector<1280x128xf32>
    %swap3A = arith.constant 0 : index
    %swap3A_24 = arith.constant 0 : index
    %swap3A_25 = vector.load %arg9[%swap3A, %swap3A_24] : memref<1280x128xf32, #tpu.memory_space<vmem>>, vector<1280x128xf32>
    tpu.vector_store %arg9[%swap3A, %swap3A_24], %max3A_23 {strides = array<i32>} : memref<1280x128xf32, #tpu.memory_space<vmem>>, vector<1280x128xf32>,
    %get3A_26 = arith.constant 0 : index
    %get3A_27 = arith.constant 0 : index
    %get3A_28 = vector.load %arg5[%get3A_26, %get3A_27] : memref<1280x16xf32, #tpu.memory_space<vmem>>, vector<1280x1xf32>
    %mul3A_29 = vector.broadcast %get3A_28 : vector<1280x1xf32> to vector<1280x128xf32>
    %mul3A_30 = arith.mulf %max3A_19, %mul3A_29 : vector<1280x128xf32>
    %get3A_31 = arith.constant 0 : index
    %get3A_32 = arith.constant 0 : index
    %get3A_33 = vector.load %arg7[%get3A_31, %get3A_32] : memref<128x128xf32, #tpu.memory_space<vmem>>, vector<128x128xf32>
    %dot_general3A = arith.constant dense<0.000000e+00> : vector<1280x128xf32>
    %dot_general3A_34 = tpu.matmul %mul3A_30, %get3A_33, %dot_general3A {dimension_numbers = #tpu.dot_dimension_numbers<[1], [0], [0], [1], [0, 0, 1, 1], [], []>, transpose_lhs_hint = false} : vector<1280x128xf32>, vector<128x128xf32>, vector<1280x128xf32> -> vector<1280x128xf32>
    %swap3A_35 = arith.constant 0 : index
    %swap3A_36 = arith.constant 0 : index
    %swap3A_37 = vector.load %arg10[%swap3A_35, %swap3A_36] : memref<1280x128xf32, #tpu.memory_space<vmem>>, vector<1280x128xf32>
    tpu.vector_store %arg10[%swap3A_35, %swap3A_36], %dot_general3A_34 {strides = array<i32>} : memref<1280x128xf32, #tpu.memory_space<vmem>>, vector<1280x128xf32>,
    return
  }
  func.func @transform_0(%arg0: i32) -> (i32, i32) {
    %c0_i32 = arith.constant 0 : i32
    %c0_i32_0 = arith.constant 0 : i32
    return %arg0, %c0_i32 : i32, i32
  }
  func.func @transform_1(%arg0: i32) -> (i32, i32) {
    %c0_i32 = arith.constant 0 : i32
    %c0_i32_0 = arith.constant 0 : i32
    return %arg0, %c0_i32 : i32, i32
  }
  func.func @transform_2(%arg0: i32) -> (i32, i32) {
    %c0_i32 = arith.constant 0 : i32
    %c0_i32_0 = arith.constant 0 : i32
    return %arg0, %c0_i32 : i32, i32
  }
  func.func @transform_3(%arg0: i32) -> (i32, i32) {
    %c0_i32 = arith.constant 0 : i32
    %c0_i32_0 = arith.constant 0 : i32
    return %arg0, %c0_i32 : i32, i32
  }
  func.func @transform_4(%arg0: i32) -> (i32, i32) {
    %c0_i32 = arith.constant 0 : i32
    %c0_i32_0 = arith.constant 0 : i32
    return %arg0, %c0_i32 : i32, i32
  }
  func.func @transform_5(%arg0: i32) -> (i32, i32) {
    %c0_i32 = arith.constant 0 : i32
    %c0_i32_0 = arith.constant 0 : i32
    %c0_i32_1 = arith.constant 0 : i32
    return %c0_i32, %c0_i32_0 : i32, i32
  }
  func.func @transform_6(%arg0: i32) -> (i32, i32) {
    %c0_i32 = arith.constant 0 : i32
    %c0_i32_0 = arith.constant 0 : i32
    %c0_i32_1 = arith.constant 0 : i32
    return %c0_i32, %c0_i32_0 : i32, i32
  }
  func.func @transform_7(%arg0: i32) -> (i32, i32) {
    %c0_i32 = arith.constant 0 : i32
    %c0_i32_0 = arith.constant 0 : i32
    return %arg0, %c0_i32 : i32, i32
  }
  func.func @transform_8(%arg0: i32) -> (i32, i32) {
    %c0_i32 = arith.constant 0 : i32
    %c0_i32_0 = arith.constant 0 : i32
    return %arg0, %c0_i32 : i32, i32
  }
  func.func @transform_9(%arg0: i32) -> (i32, i32) {
    %c0_i32 = arith.constant 0 : i32
    %c0_i32_0 = arith.constant 0 : i32
    return %arg0, %c0_i32 : i32, i32
  }
}

module attributes {stable_mosaic.version = 14 : i64} {
  func.func @_fin_body(%arg0: i32, %arg1: memref<1280x128xf32, #tpu.memory_space<vmem>>, %arg2: memref<1280x128xf32, #tpu.memory_space<vmem>>, %arg3: memref<1280x128xf32, #tpu.memory_space<vmem>>, %arg4: memref<1280x16xf32, #tpu.memory_space<vmem>>, %arg5: memref<1x128xf32, #tpu.memory_space<vmem>>, %arg6: memref<1280x128xf32, #tpu.memory_space<vmem>>, %arg7: memref<1280x128xf32, #tpu.memory_space<vmem>>) attributes {dimension_semantics = [#tpu.dimension_semantics<arbitrary>], iteration_bounds = array<i64: 8>, scalar_prefetch = 0 : i64, scratch_operands = 0 : i64, tpu.core_type = #tpu.core_type<tc>, window_params = [{transform_indices = @transform_0, window_bounds = array<i64: 1280, 128>}, {transform_indices = @transform_1, window_bounds = array<i64: 1280, 128>}, {transform_indices = @transform_2, window_bounds = array<i64: 1280, 128>}, {transform_indices = @transform_3, window_bounds = array<i64: 1280, 16>}, {pipeline_mode = #tpu.pipeline_mode<synchronous>, transform_indices = @transform_4, window_bounds = array<i64: 1, 128>}, {transform_indices = @transform_5, window_bounds = array<i64: 1280, 128>}, {transform_indices = @transform_6, window_bounds = array<i64: 1280, 128>}]} {
    %get3A = arith.constant 0 : index
    %get3A_0 = arith.constant 0 : index
    %get3A_1 = vector.load %arg1[%get3A, %get3A_0] : memref<1280x128xf32, #tpu.memory_space<vmem>>, vector<1280x128xf32>
    %get3A_2 = arith.constant 0 : index
    %get3A_3 = arith.constant 0 : index
    %get3A_4 = vector.load %arg2[%get3A_2, %get3A_3] : memref<1280x128xf32, #tpu.memory_space<vmem>>, vector<1280x128xf32>
    %add3A = arith.addf %get3A_1, %get3A_4 : vector<1280x128xf32>
    %get3A_5 = arith.constant 0 : index
    %get3A_6 = arith.constant 0 : index
    %get3A_7 = vector.load %arg3[%get3A_5, %get3A_6] : memref<1280x128xf32, #tpu.memory_space<vmem>>, vector<1280x128xf32>
    %add3A_8 = arith.addf %add3A, %get3A_7 : vector<1280x128xf32>
    %get3A_9 = arith.constant 0 : index
    %get3A_10 = arith.constant 0 : index
    %get3A_11 = vector.load %arg4[%get3A_9, %get3A_10] : memref<1280x16xf32, #tpu.memory_space<vmem>>, vector<1280x1xf32>
    %mul3A = vector.broadcast %get3A_11 : vector<1280x1xf32> to vector<1280x128xf32>
    %mul3A_12 = arith.mulf %add3A_8, %mul3A : vector<1280x128xf32>
    %get3A_13 = arith.constant 0 : index
    %get3A_14 = arith.constant 0 : index
    %get3A_15 = vector.load %arg5[%get3A_13, %get3A_14] : memref<1x128xf32, #tpu.memory_space<vmem>>, vector<1x128xf32>
    %add3A_16 = vector.broadcast %get3A_15 : vector<1x128xf32> to vector<1280x128xf32>
    %add3A_17 = arith.addf %mul3A_12, %add3A_16 : vector<1280x128xf32>
    %max3A = arith.constant 0.000000e+00 : f32
    %max3A_18 = vector.broadcast %max3A : f32 to vector<1280x128xf32>
    %max3A_19 = arith.maximumf %add3A_17, %max3A_18 : vector<1280x128xf32>
    %get3A_20 = arith.constant 0 : index
    %get3A_21 = arith.constant 0 : index
    %get3A_22 = vector.load %arg6[%get3A_20, %get3A_21] : memref<1280x128xf32, #tpu.memory_space<vmem>>, vector<1280x128xf32>
    %max3A_23 = arith.maximumf %get3A_22, %max3A_19 : vector<1280x128xf32>
    %swap3A = arith.constant 0 : index
    %swap3A_24 = arith.constant 0 : index
    %swap3A_25 = vector.load %arg7[%swap3A, %swap3A_24] : memref<1280x128xf32, #tpu.memory_space<vmem>>, vector<1280x128xf32>
    tpu.vector_store %arg7[%swap3A, %swap3A_24], %max3A_23 {strides = array<i32>} : memref<1280x128xf32, #tpu.memory_space<vmem>>, vector<1280x128xf32>,
    return
  }
  func.func @transform_0(%arg0: i32) -> (i32, i32) {
    %c0_i32 = arith.constant 0 : i32
    %c0_i32_0 = arith.constant 0 : i32
    return %arg0, %c0_i32 : i32, i32
  }
  func.func @transform_1(%arg0: i32) -> (i32, i32) {
    %c0_i32 = arith.constant 0 : i32
    %c0_i32_0 = arith.constant 0 : i32
    return %arg0, %c0_i32 : i32, i32
  }
  func.func @transform_2(%arg0: i32) -> (i32, i32) {
    %c0_i32 = arith.constant 0 : i32
    %c0_i32_0 = arith.constant 0 : i32
    return %arg0, %c0_i32 : i32, i32
  }
  func.func @transform_3(%arg0: i32) -> (i32, i32) {
    %c0_i32 = arith.constant 0 : i32
    %c0_i32_0 = arith.constant 0 : i32
    return %arg0, %c0_i32 : i32, i32
  }
  func.func @transform_4(%arg0: i32) -> (i32, i32) {
    %c0_i32 = arith.constant 0 : i32
    %c0_i32_0 = arith.constant 0 : i32
    %c0_i32_1 = arith.constant 0 : i32
    return %c0_i32, %c0_i32_0 : i32, i32
  }
  func.func @transform_5(%arg0: i32) -> (i32, i32) {
    %c0_i32 = arith.constant 0 : i32
    %c0_i32_0 = arith.constant 0 : i32
    return %arg0, %c0_i32 : i32, i32
  }
  func.func @transform_6(%arg0: i32) -> (i32, i32) {
    %c0_i32 = arith.constant 0 : i32
    %c0_i32_0 = arith.constant 0 : i32
    return %arg0, %c0_i32 : i32, i32
  }
}

</mosaic_0001>

<sc_bundles>
// kernel: kernel.11.cloned.1.call-start
scs
__scs_entry_jumppad:
0x0: {  	(pc) =	sbr.rel $0x88, $3  }
0x1: {  	(tag) =	ssettag $0x0;
	lr =	simm.s32 $0x1  }
0x2: {  	[smem:$0x3F99] =	sst lr;
	_ =	strace $0xD0000000  }
0x3: {  	_ = 	snop  }
0x4: {  	_ = 	snop  }
0x5: {  	_ = 	snop  }
0x6: {  	_ = 	snop  }
0x7: {  	_ = 	snop  }
__scs_overlays_trampoline_lowered:
0x8: {  	[smem:$0x3FA8] =	sst s0  }
0x9: {  	[smem:$0x3FA9] =	sst s1  }
0xa: {  	[smem:$0x3FAA] =	sst s2  }
0xb: {  	[smem:$0x3FAB] =	sst s3  }
0xc: {  	[smem:$0x3FAC] =	sst s4  }
0xd: {  	[smem:$0x3FAD] =	sst s5  }
0xe: {  	[smem:$0x3FAE] =	sst s6  }
0xf: {  	[smem:$0x3FAF] =	sst s7  }
0x10: {  	[smem:$0x3FB0] =	sst s8  }
0x11: {  	[smem:$0x3FB1] =	sst s9;
	s0 =	simm.s32 @!p0 $0x0  }
0x12: {  	s1 =	sld [smem:$0x3F97];
	s0 =	simm.s32 @p0 $0x1  }
0x13: {  	[smem:$0x3FB2] =	sst s0;
	s0 =	simm.s32 @!p1 $0x0  }
0x14: {  	s2 =	sld [smem:$0x3F96];
	s0 =	simm.s32 @p1 $0x1  }
0x15: {  	[smem:$0x3FB3] =	sst s0;
	s0 =	simm.s32 @!p2 $0x0  }
0x16: {  	s3 =	sld [smem:$0x3FDB];
	s0 =	simm.s32 @p2 $0x1  }
0x17: {  	s4 =	simm.s32 $0x1BF5;
	[smem:$0x3FB5] =	sst s0  }
0x18: {  	s0 =	sld [smem:$0x3F98];
	_ =	swait.ge [sflag:s4], $0x0  }
0x19: {  	s7 =	sld [smem:$0x3F99]  }
0x1a: {  	s8 =	sadd.s32 $0xFFFFE003, lr  }
0x1b: {  	s9 =	sadd.s32 $0xFFFFFEF7, lr;
	s5 =	simm.s32 $0xFFFFFFFF;
	p2 =	slt.u32 s8, $0xFFFFF086  }
0x1c: {  	p1 =	slt.u32 s9, $0xF7A;
	s5 =	simm.s32 @!p2 $0x0  }
0x1d: {  	s5 =	simm.s32 @p1 $0x1;
	p0 =	seq.s32 s7, s2  }
0x1e: {  	s7 =	smul.u32 @!p0 $0xF7A, s2;
	p2 =	seq.s32 @!p0 s5, $0x0  }
0x1f: {  	s9 =	smul.u32 $0xF7A, s1;
	s8 =	simm.s32 @!p0 $0x1BF5;
	p2 =	por !p2, p0  }
0x20: {  	[sflag:s8] =	ssyncset.s32 @!p0 $0xFFFFF086;
	s6 =	sadd.s32 @!p0 s3, s7;
	s7 =	simm.s32 @!p0 $0x108  }
0x21: {  	s3 =	sadd.s32 s3, s9;
	s6 =	sadd.s32 @!p0 $0x88, s6;
	s7 =	simm.s32 @p2 $0x1082  }
0x22: {  	[simem:s7], [sflag:s8] =	dma.local @!p0 [hbm:s6], $0xF7A  }
0x23: {  	s9 =	sor.u32 $0xD0000000, s2;
	s6 =	simm.s32 $0x108;
	_ =	swait.ge @!p0 [sflag:s8], $0x0  }
0x24: {  	s3 =	sadd.s32 $0x88, s3;
	s6 =	simm.s32 @!p1 $0x1082;
	[sflag:s4] =	ssyncset.s32 $0xFFFFF086  }
0x25: {  	[simem:s6], [sflag:s4] =	dma.local [hbm:s3], $0xF7A  }
0x26: {  	[smem:$0x3F99] =	sst s1;
	(tag) =	ssettag s2;
	_ =	strace s9  }
0x27: {  	s1 =	sld [smem:$0x3FA9]  }
0x28: {  	s2 =	sld [smem:$0x3FAA]  }
0x29: {  	s4 =	sld [smem:$0x3FAC]  }
0x2a: {  	p0 =	seq.s32 s5, $0x0;
	s5 =	sld [smem:$0x3FAD]  }
0x2b: {  	s6 =	sld [smem:$0x3FAE]  }
0x2c: {  	s7 =	sld [smem:$0x3FAF]  }
0x2d: {  	s3 =	simm.s32 $0x108;
	s8 =	sld [smem:$0x3FB0]  }
0x2e: {  	s3 =	simm.s32 @!p0 $0x1082;
	s9 =	sld [smem:$0x3FB1]  }
0x2f: {  	lr =	sadd.s32 s0, s3;
	s0 =	sld [smem:$0x3FA8]  }
0x30: {  	s3 =	sld [smem:$0x3FAB]  }
0x31: {  	[smem:$0x3FB4] =	sst s10  }
0x32: {  	s10 =	sld [smem:$0x3FB2];
	_ =	sdelay $0x3  }
0x33: {  	p0 =	seq.s32 s10, $0x1;
	s10 =	sld [smem:$0x3FB4];
	_ =	sdelay $0x3  }
0x34: {  	[smem:$0x3FB4] =	sst s10  }
0x35: {  	s10 =	sld [smem:$0x3FB3];
	_ =	sdelay $0x3  }
0x36: {  	p1 =	seq.s32 s10, $0x1;
	s10 =	sld [smem:$0x3FB4];
	_ =	sdelay $0x3  }
0x37: {  	[smem:$0x3FB4] =	sst s10  }
0x38: {  	s10 =	sld [smem:$0x3FB5]  }
0x39: {  	_ = 	snop;
	(pc) =	sbr.ind lr, $3  }
0x3a: {  	_ = 	snop  }
0x3b: {  	_ = 	snop  }
0x3c: {  	p2 =	seq.s32 s10, $0x1;
	s10 =	sld [smem:$0x3FB4]  }
0x3d: {  	_ =	shalt  }
0x3e: {  	_ =	shalt  }
0x3f: {  	_ =	shalt  }
0x40: {  	_ =	shalt  }
0x41: {  	_ =	shalt  }
0x42: {  	_ =	shalt  }
0x43: {  	_ =	shalt  }
0x44: {  	_ =	shalt  }
0x45: {  	_ =	shalt  }
0x46: {  	_ =	shalt  }
0x47: {  	_ =	shalt  }
0x48: {  	_ =	shalt  }
0x49: {  	_ =	shalt  }
0x4a: {  	_ =	shalt  }
0x4b: {  	_ =	shalt  }
0x4c: {  	_ =	shalt  }
0x4d: {  	_ =	shalt  }
0x4e: {  	_ =	shalt  }
0x4f: {  	_ =	shalt  }
0x50: {  	_ =	shalt  }
0x51: {  	_ =	shalt  }
0x52: {  	_ =	shalt  }
0x53: {  	_ =	shalt  }
0x54: {  	_ =	shalt  }
0x55: {  	_ =	shalt  }
0x56: {  	_ =	shalt  }
0x57: {  	_ =	shalt  }
0x58: {  	_ =	shalt  }
0x59: {  	_ =	shalt  }
0x5a: {  	_ =	shalt  }
0x5b: {  	_ =	shalt  }
0x5c: {  	_ =	shalt  }
0x5d: {  	_ =	shalt  }
0x5e: {  	_ =	shalt  }
0x5f: {  	_ =	shalt  }
0x60: {  	_ =	shalt  }
0x61: {  	_ =	shalt  }
0x62: {  	_ =	shalt  }
0x63: {  	_ =	shalt  }
0x64: {  	_ =	shalt  }
0x65: {  	_ =	shalt  }
0x66: {  	_ =	shalt  }
0x67: {  	_ =	shalt  }
0x68: {  	_ =	shalt  }
0x69: {  	_ =	shalt  }
0x6a: {  	_ =	shalt  }
0x6b: {  	_ =	shalt  }
0x6c: {  	_ =	shalt  }
0x6d: {  	_ =	shalt  }
0x6e: {  	_ =	shalt  }
0x6f: {  	_ =	shalt  }
0x70: {  	_ =	shalt  }
0x71: {  	_ =	shalt  }
0x72: {  	_ =	shalt  }
0x73: {  	_ =	shalt  }
0x74: {  	_ =	shalt  }
0x75: {  	_ =	shalt  }
0x76: {  	_ =	shalt  }
0x77: {  	_ =	shalt  }
0x78: {  	_ =	shalt  }
0x79: {  	_ =	shalt  }
0x7a: {  	_ =	shalt  }
0x7b: {  	_ =	shalt  }
0x7c: {  	_ =	shalt  }
0x7d: {  	_ =	shalt  }
0x7e: {  	_ =	shalt  }
0x7f: {  	_ =	shalt  }
0x80: {  	_ =	shalt  }
0x81: {  	_ =	shalt  }
0x82: {  	_ =	shalt  }
0x83: {  	_ =	shalt  }
0x84: {  	_ =	shalt  }
0x85: {  	_ =	shalt  }
0x86: {  	_ =	shalt  }
0x87: {  	_ =	shalt  }
.Lfunc_end0:
.L_simem_size_0:
called_computation_lowered:
.L_overlay_start_0:
0x88: {  	s2 =	sld [smem:$0x3FD9]  }
0x89: {  	s3 =	sld [smem:$0x3FFE];
	_ =	sdelay $0x1  }
0x8a: {  	s1 =	srdreg.scid  }
0x8b: {  	s0 =	sand.u32 $0x1, s1  }
0x8c: {  	s16 =	sshll.u32 s0, $0xA;
	s2 =	sadd.s32 s3, s2  }
0x8d: {  	s2 =	sadd.s32 s2, s16  }
0x8e: {  	[smem:$0x3FC0] =	sst s2  }
0x8f: {  	_ = 	snop  }
0x90: {  	(tm) =	ssettm $0x1  }
0x91: {  	s17 =	sld [smem:$0x3FFB];
	_ =	sdelay $0x3  }
0x92: {  	_ =	strace s17  }
0x93: {  	s2 =	sld [smem:$0x3FFC];
	_ =	sdelay $0x3  }
0x94: {  	_ =	strace s2  }
0x95: {  	s2 =	sld [smem:$0x3FFD];
	_ =	sdelay $0x3  }
0x96: {  	_ =	strace s2  }
0x97: {  	_ =	strace $0x8FFFFFFF  }
0x98: {  	s18 =	sld [smem:$0x3FDB];
	_ =	sdelay $0x1  }
0x99: {  	s19 =	simm.s32 $_scs_section_size  }
0x9a: {  	s4 =	simm.s32 $_size__tile_overlayer_lowered;
	s5 =	simm.s32 $_tile_overlayer_lowered  }
0x9b: {  	s22 =	simm.s32 $0x1BFF;
	s21 =	sshll.u32 s5, $0x1;
	s2 =	sadd.s32 s19, s18  }
0x9c: {  	s6 =	simm.s32 $0x0;
	s20 =	sshll.u32 s4, $0x1;
	s4 =	sadd.s32 s21, s2  }
0x9d: {  	[timem:s6], [sflag:s22] =	dma.local [hbm:s4], s20  }
0x9e: {  	_ =	swait.ge [sflag:s22], s20  }
0x9f: {  	s3 =	ssub.s32 $0x0, s20;
	[sflag:s22] =	ssyncset.done $0x0  }
0xa0: {  	[sflag:s22] =	ssyncadd.s32 s3;
	_ =	sdelay $0x1  }
0xa1: {  	s23 =	simm.s32 $0x1B8B  }
0xa2: {  	_ =	swait.ge [sflag:s23], $0x1  }
0xa3: {  	[sflag:s23] =	ssyncset.done $0x0  }
0xa4: {  	s25 =	simm.s32 $0x1B8E;
	s24 =	sld [smem:$0x3FFE];
	[sflag:s23] =	ssyncadd.s32 $0xFFFFFFFF  }
0xa5: {  	s26 =	simm.s32 $execute0_lowered;
	[smem:$0x3FD2] =	sst s25  }
0xa6: {  	s4 =	sshll.u32 s26, $0x1;
	_ =	strace $0x80000046;
	[dreg:$0x1] =	wrdreg $0xFFFFFFFF  }
0xa7: {  	s28 =	simm.s32 $_size_execute0_lowered;
	s2 =	sadd.s32 s2, s4;
	[dreg:$0x0] =	wrdreg $0x0  }
0xa8: {  	s4 =	sshll.u32 s28, $0x1;
	[dreg:$0x2] =	wrdreg s2  }
0xa9: {  	[dreg:$0x3] =	wrdreg s4  }
0xaa: {  	[dreg:$0x4] =	wrdreg $0xC0  }
0xab: {  	_ =	task [dreg:s6], $0x5FFFF  }
0xac: {  	[dreg:$0x1] =	wrdreg $0xFFFFFFFF  }
0xad: {  	[dreg:$0x0] =	wrdreg $0x60  }
0xae: {  	[dreg:$0x2] =	wrdreg s24  }
0xaf: {  	[dreg:$0x3] =	wrdreg $0x90000  }
0xb0: {  	[dreg:$0x4] =	wrdreg $0x9  }
0xb1: {  	_ =	task.clear_ibuf [dreg:s6], $0x5FFFF;
	_ =	strace $0x90000046  }
0xb2: {  	s29 =	simm.s32 $0x9;
	_ =	strace $0x80000048  }
0xb3: {  	_ =	swait.ge [sflag:s29], $0x1  }
0xb4: {  	[sflag:s29] =	ssyncadd.s32 $0xFFFFFFFF  }
0xb5: {  	_ =	strace $0x90000048  }
0xb6: {  	_ =	sfence  }
0xb7: {  	s30 =	sld [smem:$0x0];
	_ =	sdelay $0x2  }
0xb8: {  	s31 =	sshll.u32 s1, $0xD;
	s1 =	sshrl.u32 s1, $0x2  }
0xb9: {  	s3 =	sand.u32 $0x4000, s31;
	s1 =	sadd.s32 s1, s30  }
0xba: {  	s0 =	sor.u32 s3, s0;
	s1 =	sshll.u32 s1, $0x11  }
0xbb: {  	s0 =	sor.u32 s1, s0  }
0xbc: {  	s0 =	sadd.s32 $0x8F2B, s0  }
0xbd: {  	[sflag:s0] =	ssyncadd.remote.s32 $0x1  }
0xbe: {  	_ =	sfence.sel $0xFFFF  }
0xbf: {  	[dreg:$0x0] =	wrdreg $0xFFFFFFFF;
	(pc) =	sbr.abs _section_cstart, $3  }
0xc0: {  	[dreg:$0x1] =	wrdreg $0xFFFFFFFF  }
0xc1: {  	_ =	task.clear_ibuf [dreg:s6], $0x2FFFF;
	_ =	strace $0x9FFFFFFF  }
0xc2: {  	(tm) =	ssettm $0x7FFFFFFF  }
0xc3: {  	_ =	shalt  }
tec
execute0_lowered:
.L_overlay_start_1:
0x0: {  	(tag) =	ssettag $0x1  }
0x1: {  	s1 =	srdreg.scid;
	s6 =	rddreg [dreg:$0x0]  }
0x2: {  	s0 =	stileid.u32;
	s2 =	rddreg [dreg:$0x1]  }
0x3: {  	s3 =	simm.s32 $0x0;
	s13 =	simm.s32 $0x80;
	s14 =	simm.s32 $0x5000  }
0x4: {  	s15 =	simm.s32 $0x1;
	s16 =	simm.s32 $0x0;
	s5 =	sand.u32 $0x1, s1  }
0x5: {  	s28 =	sshll.u32 s0, $0x1;
	s8 =	smul.u32 $0x14000, s0;
	[smem:$0x7FF] =	sst s3  }
0x6: {  	s4 =	sadd.s32 $0x36000, s6;
	s29 =	smul.u32 $0x50000, s0;
	s31 =	sshll.u32 s0, $0x6  }
0x7: {  	s1 =	sor.u32 s5, s28;
	s9 =	smul.u32 $0x140000, s5;
	s5 =	ssub.s32 $0x2, s5  }
0x8: {  	s7 =	smul.u32 $0x500, s1;
	s1 =	rddreg [dreg:$0x2];
	_ =	strace $0x80000047  }
0x9: {  	s10 =	sshrl.u32 s8, $0x3;
	s30 =	sshrl.u32 s5, $0x1;
	s8 =	sadd.s32 s8, s9  }
0xa: {  	s10 =	sadd.s32 s10, s6;
	s9 =	sshrl.u32 s29, $0x2;
	s11 =	ssub.s32 s5, s30  }
0xb: {  	s7 =	sadd.s32 s7, s6;
	s8 =	sshrl.u32 s8, $0x3;
	s12 =	sadd.s32 s9, s2  }
0xc: {  	s5 =	sadd.s32 $0xE000, s10;
	s9 =	smax.u32 s11, $0x1;
	s11 =	simm.s32 $0x2  }
0xd: {  	s8 =	sadd.s32 s8, s6;
	s6 =	sor.u32 $0x1C02, s31;
	s7 =	sadd.s32 $0x4000, s7  }
0xe: {  	s10 =	sshrl.u32 s12, $0x3;
	s12 =	simm.s32 $0x2800;
	s8 =	sadd.s32 $0x5E000, s8  }
.LBB2_1:
0xf: {  	[spmem:s10], [sflag:s6] =	dma.local [hbm:s5], $0x2800  }
0x10: {  	_ =	swait.ge [sflag:s11], $0x2800  }
0x11: {  	[sflag:s11] =	ssyncset.done $0x0  }
0x12: {  	[sflag:s11] =	ssyncadd.s32 $0xFFFFD800  }
0x13: {  	[tilespmem:s3], [sflag:$0x2] =	stream.linear.gather [hbm4b:s7+s3], $0x2780, $0x38;
	[tilespmem:$0x1D000] =	vst v63  }
0x14: {  	_ =	swait.ge [sflag:s11], $0x2780  }
0x15: {  	[sflag:s11] =	ssyncset.done $0x0  }
0x16: {  	[sflag:s11] =	ssyncadd.s32 $0xFFFFD880  }
0x17: {  	[tilespmem:s12], [sflag:$0x2] =	stream.linear.gather [hbm4b:s7+s3], $0x2780, $0x38;
	[tilespmem:$0x1D000] =	vst v63  }
0x18: {  	_ =	swait.ge [sflag:s11], $0x2780  }
0x19: {  	[sflag:s11] =	ssyncset.done $0x0  }
0x1a: {  	[sflag:s11] =	ssyncadd.s32 $0xFFFFD880  }
0x1b: {  	s17 =	simm.s32 $0x0;
	[bflag:$0x0] =	sbarrier.arrive $0xFFFF  }
0x1c: {  	[tilespmem:s14], [sflag:$0x1] =	stream.indirect.gather [hbm4b:s4+s13], $0x80, s17, s13, $0xb8;
	[tilespmem:$0x1D000] =	vst v63  }
0x1d: {  	_ =	swait.ge [sflag:s15], $0x4000  }
0x1e: {  	[sflag:s15] =	ssyncset.done $0x0  }
0x1f: {  	s31 =	simm.s32 $0x2800;
	[sflag:s15] =	ssyncadd.s32 $0xFFFFC000  }
0x20: {  	[spmem:s2] =	stream.indirect.scatter.add.f32 [tilespmem:s14], [sflag:$0x2], $0x80, s31, s13, $0xb8;
	[tilespmem:$0x1D000] =	vst v63  }
0x21: {  	_ =	swait.ge [sflag:s11], $0x4000  }
0x22: {  	s18 =	simm.s32 $0x400;
	s17 =	simm.s32 $0x200;
	[sflag:s11] =	ssyncset.done $0x0  }
.LBB2_2:
0x23: {  	s19 =	sshra.s32 s17, $0x2  }
0x24: {  	[sflag:s11] =	ssyncadd.s32 $0xFFFFC000;
	s17 =	smov.u32 s18;
	s20 =	sadd.s32 $0x200, s18  }
0x25: {  	[tilespmem:s14], [sflag:$0x1] =	stream.indirect.gather [hbm4b:s4+s13], $0x80, s19, s13, $0xb8;
	[tilespmem:$0x1D000] =	vst v63  }
0x26: {  	p0 =	sne.s32 s18, $0x9C00;
	_ =	swait.ge [sflag:s15], $0x4000  }
.Ltmp0:
0x27: {  	[sflag:s15] =	ssyncset.done $0x0;
	(pc) =	sbr.rel @p0 .LBB2_2-.Ltmp0, $4  }
0x28: {  	s18 =	sadd.s32 $0x2800, s19;
	[sflag:s15] =	ssyncadd.s32 $0xFFFFC000  }
0x29: {  	[spmem:s2] =	stream.indirect.scatter.add.f32 [tilespmem:s14], [sflag:$0x2], $0x80, s18, s13, $0xb8;
	[tilespmem:$0x1D000] =	vst v63  }
0x2a: {  	_ =	swait.ge [sflag:s11], $0x4000  }
0x2b: {  	s18 =	smov.u32 s20;
	[sflag:s11] =	ssyncset.done $0x0  }
0x2c: {  	s17 =	sshra.s32 s17, $0x2;
	[sflag:s11] =	ssyncadd.s32 $0xFFFFC000  }
0x2d: {  	[tilespmem:s14], [sflag:$0x1] =	stream.indirect.gather [hbm4b:s4+s13], $0x80, s17, s13, $0xb8;
	[tilespmem:$0x1D000] =	vst v63  }
0x2e: {  	_ =	swait.ge [sflag:s15], $0x4000  }
0x2f: {  	[sflag:s15] =	ssyncset.done $0x0  }
0x30: {  	s17 =	sadd.s32 $0x2800, s17;
	[sflag:s15] =	ssyncadd.s32 $0xFFFFC000  }
0x31: {  	[spmem:s2] =	stream.indirect.scatter.add.f32 [tilespmem:s14], [sflag:$0x2], $0x80, s17, s13, $0xb8;
	[tilespmem:$0x1D000] =	vst v63  }
0x32: {  	_ =	swait.ge [sflag:s11], $0x4000  }
0x33: {  	s16 =	sadd.s32 $0x1, s16;
	[sflag:s11] =	ssyncset.done $0x0  }
0x34: {  	p0 =	sne.s32 s16, s9;
	[sflag:s11] =	ssyncadd.s32 $0xFFFFC000  }
.Ltmp1:
0x35: {  	[bflag:$0x0] =	sbarrier.arrive $0xFFFF;
	(pc) =	sbr.rel @p0 .LBB2_1-.Ltmp1, $4  }
0x36: {  	[hbm:s8], [sflag:s6] =	dma.local [spmem:s10], $0x2800  }
0x37: {  	_ =	swait.ge [sflag:s11], $0x2800  }
0x38: {  	[sflag:s11] =	ssyncset.done $0x0  }
0x39: {  	[sflag:s11] =	ssyncadd.s32 $0xFFFFD800  }
0x3a: {  	_ =	sfence.sel $0x180000  }
0x3b: {  	[bflag:$0x0] =	sbarrier.arrive $0xFFFF  }
0x3c: {  	p0 =	sne.s32 s0, $0x0;
	_ =	strace $0x90000047  }
0x3d: {  	s0 =	sadd.s32 @!p0 $0x100000, s1;
	[bflag:$0x2] =	sbarrier.arrive $0xFFFF  }
0x3e: {  	[sflag:s0] =	ssyncadd.tile.s32 @!p0 $0x1;
	_ =	shalt  }
.Lfunc_end2:
_tile_overlayer_lowered:
.L_overlay_start_2:
0x3f: {  	(tag) =	ssettag $0x2  }
0x40: {  	s0 =	rddreg [dreg:$0x0];
	s2 =	stileid.u32  }
0x41: {  	s1 =	rddreg [dreg:$0x1];
	p0 =	sne.s32 s2, $0x0  }
0x42: {  	s3 =	rddreg [dreg:$0x2];
	[bflag:$0x3] =	sbarrier.arrive $0xFFFF;
	s2 =	simm.s32 @!p0 $0x1C02  }
0x43: {  	[timem:s3], [sflag:s2] =	dma.local @!p0 [hbm:s0], s1  }
0x44: {  	s0 =	simm.s32 @!p0 $0x2  }
0x45: {  	_ =	swait.ge @!p0 [sflag:s0], s1  }
0x46: {  	s1 =	ssub.s32 @!p0 $0x0, s1;
	[sflag:s0] =	ssyncset.done @!p0 $0x0  }
0x47: {  	[sflag:s0] =	ssyncadd.s32 @!p0 s1  }
0x48: {  	[bflag:$0x3] =	sbarrier.arrive $0xFFFF  }
0x49: {  	_ =	shalt  }

// kernel: kernel.14.cloned.1.call-start
scs
__scs_entry_jumppad:
0x0: {  	(pc) =	sbr.rel $0x88, $3  }
0x1: {  	(tag) =	ssettag $0x0;
	lr =	simm.s32 $0x1  }
0x2: {  	[smem:$0x3F99] =	sst lr;
	_ =	strace $0xD0000000  }
0x3: {  	_ = 	snop  }
0x4: {  	_ = 	snop  }
0x5: {  	_ = 	snop  }
0x6: {  	_ = 	snop  }
0x7: {  	_ = 	snop  }
__scs_overlays_trampoline_lowered:
0x8: {  	[smem:$0x3FA8] =	sst s0  }
0x9: {  	[smem:$0x3FA9] =	sst s1  }
0xa: {  	[smem:$0x3FAA] =	sst s2  }
0xb: {  	[smem:$0x3FAB] =	sst s3  }
0xc: {  	[smem:$0x3FAC] =	sst s4  }
0xd: {  	[smem:$0x3FAD] =	sst s5  }
0xe: {  	[smem:$0x3FAE] =	sst s6  }
0xf: {  	[smem:$0x3FAF] =	sst s7  }
0x10: {  	[smem:$0x3FB0] =	sst s8  }
0x11: {  	[smem:$0x3FB1] =	sst s9;
	s0 =	simm.s32 @!p0 $0x0  }
0x12: {  	s1 =	sld [smem:$0x3F97];
	s0 =	simm.s32 @p0 $0x1  }
0x13: {  	[smem:$0x3FB2] =	sst s0;
	s0 =	simm.s32 @!p1 $0x0  }
0x14: {  	s2 =	sld [smem:$0x3F96];
	s0 =	simm.s32 @p1 $0x1  }
0x15: {  	[smem:$0x3FB3] =	sst s0;
	s0 =	simm.s32 @!p2 $0x0  }
0x16: {  	s3 =	sld [smem:$0x3FDB];
	s0 =	simm.s32 @p2 $0x1  }
0x17: {  	s4 =	simm.s32 $0x1BF5;
	[smem:$0x3FB5] =	sst s0  }
0x18: {  	s0 =	sld [smem:$0x3F98];
	_ =	swait.ge [sflag:s4], $0x0  }
0x19: {  	s7 =	sld [smem:$0x3F99]  }
0x1a: {  	s8 =	sadd.s32 $0xFFFFE003, lr  }
0x1b: {  	s9 =	sadd.s32 $0xFFFFFEF7, lr;
	s5 =	simm.s32 $0xFFFFFFFF;
	p2 =	slt.u32 s8, $0xFFFFF086  }
0x1c: {  	p1 =	slt.u32 s9, $0xF7A;
	s5 =	simm.s32 @!p2 $0x0  }
0x1d: {  	s5 =	simm.s32 @p1 $0x1;
	p0 =	seq.s32 s7, s2  }
0x1e: {  	s7 =	smul.u32 @!p0 $0xF7A, s2;
	p2 =	seq.s32 @!p0 s5, $0x0  }
0x1f: {  	s9 =	smul.u32 $0xF7A, s1;
	s8 =	simm.s32 @!p0 $0x1BF5;
	p2 =	por !p2, p0  }
0x20: {  	[sflag:s8] =	ssyncset.s32 @!p0 $0xFFFFF086;
	s6 =	sadd.s32 @!p0 s3, s7;
	s7 =	simm.s32 @!p0 $0x108  }
0x21: {  	s3 =	sadd.s32 s3, s9;
	s6 =	sadd.s32 @!p0 $0x88, s6;
	s7 =	simm.s32 @p2 $0x1082  }
0x22: {  	[simem:s7], [sflag:s8] =	dma.local @!p0 [hbm:s6], $0xF7A  }
0x23: {  	s9 =	sor.u32 $0xD0000000, s2;
	s6 =	simm.s32 $0x108;
	_ =	swait.ge @!p0 [sflag:s8], $0x0  }
0x24: {  	s3 =	sadd.s32 $0x88, s3;
	s6 =	simm.s32 @!p1 $0x1082;
	[sflag:s4] =	ssyncset.s32 $0xFFFFF086  }
0x25: {  	[simem:s6], [sflag:s4] =	dma.local [hbm:s3], $0xF7A  }
0x26: {  	[smem:$0x3F99] =	sst s1;
	(tag) =	ssettag s2;
	_ =	strace s9  }
0x27: {  	s1 =	sld [smem:$0x3FA9]  }
0x28: {  	s2 =	sld [smem:$0x3FAA]  }
0x29: {  	s4 =	sld [smem:$0x3FAC]  }
0x2a: {  	p0 =	seq.s32 s5, $0x0;
	s5 =	sld [smem:$0x3FAD]  }
0x2b: {  	s6 =	sld [smem:$0x3FAE]  }
0x2c: {  	s7 =	sld [smem:$0x3FAF]  }
0x2d: {  	s3 =	simm.s32 $0x108;
	s8 =	sld [smem:$0x3FB0]  }
0x2e: {  	s3 =	simm.s32 @!p0 $0x1082;
	s9 =	sld [smem:$0x3FB1]  }
0x2f: {  	lr =	sadd.s32 s0, s3;
	s0 =	sld [smem:$0x3FA8]  }
0x30: {  	s3 =	sld [smem:$0x3FAB]  }
0x31: {  	[smem:$0x3FB4] =	sst s10  }
0x32: {  	s10 =	sld [smem:$0x3FB2];
	_ =	sdelay $0x3  }
0x33: {  	p0 =	seq.s32 s10, $0x1;
	s10 =	sld [smem:$0x3FB4];
	_ =	sdelay $0x3  }
0x34: {  	[smem:$0x3FB4] =	sst s10  }
0x35: {  	s10 =	sld [smem:$0x3FB3];
	_ =	sdelay $0x3  }
0x36: {  	p1 =	seq.s32 s10, $0x1;
	s10 =	sld [smem:$0x3FB4];
	_ =	sdelay $0x3  }
0x37: {  	[smem:$0x3FB4] =	sst s10  }
0x38: {  	s10 =	sld [smem:$0x3FB5]  }
0x39: {  	_ = 	snop;
	(pc) =	sbr.ind lr, $3  }
0x3a: {  	_ = 	snop  }
0x3b: {  	_ = 	snop  }
0x3c: {  	p2 =	seq.s32 s10, $0x1;
	s10 =	sld [smem:$0x3FB4]  }
0x3d: {  	_ =	shalt  }
0x3e: {  	_ =	shalt  }
0x3f: {  	_ =	shalt  }
0x40: {  	_ =	shalt  }
0x41: {  	_ =	shalt  }
0x42: {  	_ =	shalt  }
0x43: {  	_ =	shalt  }
0x44: {  	_ =	shalt  }
0x45: {  	_ =	shalt  }
0x46: {  	_ =	shalt  }
0x47: {  	_ =	shalt  }
0x48: {  	_ =	shalt  }
0x49: {  	_ =	shalt  }
0x4a: {  	_ =	shalt  }
0x4b: {  	_ =	shalt  }
0x4c: {  	_ =	shalt  }
0x4d: {  	_ =	shalt  }
0x4e: {  	_ =	shalt  }
0x4f: {  	_ =	shalt  }
0x50: {  	_ =	shalt  }
0x51: {  	_ =	shalt  }
0x52: {  	_ =	shalt  }
0x53: {  	_ =	shalt  }
0x54: {  	_ =	shalt  }
0x55: {  	_ =	shalt  }
0x56: {  	_ =	shalt  }
0x57: {  	_ =	shalt  }
0x58: {  	_ =	shalt  }
0x59: {  	_ =	shalt  }
0x5a: {  	_ =	shalt  }
0x5b: {  	_ =	shalt  }
0x5c: {  	_ =	shalt  }
0x5d: {  	_ =	shalt  }
0x5e: {  	_ =	shalt  }
0x5f: {  	_ =	shalt  }
0x60: {  	_ =	shalt  }
0x61: {  	_ =	shalt  }
0x62: {  	_ =	shalt  }
0x63: {  	_ =	shalt  }
0x64: {  	_ =	shalt  }
0x65: {  	_ =	shalt  }
0x66: {  	_ =	shalt  }
0x67: {  	_ =	shalt  }
0x68: {  	_ =	shalt  }
0x69: {  	_ =	shalt  }
0x6a: {  	_ =	shalt  }
0x6b: {  	_ =	shalt  }
0x6c: {  	_ =	shalt  }
0x6d: {  	_ =	shalt  }
0x6e: {  	_ =	shalt  }
0x6f: {  	_ =	shalt  }
0x70: {  	_ =	shalt  }
0x71: {  	_ =	shalt  }
0x72: {  	_ =	shalt  }
0x73: {  	_ =	shalt  }
0x74: {  	_ =	shalt  }
0x75: {  	_ =	shalt  }
0x76: {  	_ =	shalt  }
0x77: {  	_ =	shalt  }
0x78: {  	_ =	shalt  }
0x79: {  	_ =	shalt  }
0x7a: {  	_ =	shalt  }
0x7b: {  	_ =	shalt  }
0x7c: {  	_ =	shalt  }
0x7d: {  	_ =	shalt  }
0x7e: {  	_ =	shalt  }
0x7f: {  	_ =	shalt  }
0x80: {  	_ =	shalt  }
0x81: {  	_ =	shalt  }
0x82: {  	_ =	shalt  }
0x83: {  	_ =	shalt  }
0x84: {  	_ =	shalt  }
0x85: {  	_ =	shalt  }
0x86: {  	_ =	shalt  }
0x87: {  	_ =	shalt  }
.Lfunc_end0:
.L_simem_size_0:
called_computation.1_lowered:
.L_overlay_start_0:
0x88: {  	s2 =	sld [smem:$0x3FD9]  }
0x89: {  	s3 =	sld [smem:$0x3FFE];
	_ =	sdelay $0x1  }
0x8a: {  	s1 =	srdreg.scid  }
0x8b: {  	s0 =	sand.u32 $0x1, s1  }
0x8c: {  	s17 =	sshll.u32 s0, $0xA;
	s2 =	sadd.s32 s3, s2  }
0x8d: {  	s2 =	sadd.s32 s2, s17  }
0x8e: {  	[smem:$0x3FC0] =	sst s2  }
0x8f: {  	_ = 	snop  }
0x90: {  	s18 =	sld [smem:$0x3FD0];
	(tm) =	ssettm $0x1  }
0x91: {  	s19 =	sld [smem:$0x3FFB];
	_ =	sdelay $0x3  }
0x92: {  	_ =	strace s19  }
0x93: {  	s2 =	sld [smem:$0x3FFC];
	_ =	sdelay $0x3  }
0x94: {  	_ =	strace s2  }
0x95: {  	s2 =	sld [smem:$0x3FFD];
	_ =	sdelay $0x3  }
0x96: {  	_ =	strace s2  }
0x97: {  	_ =	strace $0x8FFFFFFF  }
0x98: {  	s20 =	sld [smem:$0x3FDB];
	_ =	sdelay $0x1  }
0x99: {  	s4 =	simm.s32 $_scs_section_size  }
0x9a: {  	s5 =	simm.s32 $_size__tile_overlayer_lowered;
	s6 =	simm.s32 $_tile_overlayer_lowered  }
0x9b: {  	s7 =	simm.s32 $0x1BFF;
	s21 =	sshll.u32 s6, $0x1;
	s4 =	sadd.s32 s4, s20  }
0x9c: {  	s22 =	simm.s32 $0x0;
	s5 =	sshll.u32 s5, $0x1;
	s6 =	sadd.s32 s21, s4  }
0x9d: {  	[timem:s22], [sflag:s7] =	dma.local [hbm:s6], s5  }
0x9e: {  	_ =	swait.ge [sflag:s7], s5  }
0x9f: {  	s5 =	ssub.s32 $0x0, s5;
	[sflag:s7] =	ssyncset.done $0x0  }
0xa0: {  	[sflag:s7] =	ssyncadd.s32 s5;
	_ =	sdelay $0x1  }
0xa1: {  	s23 =	simm.s32 $0x1B8B  }
0xa2: {  	_ =	swait.ge [sflag:s23], $0x1  }
0xa3: {  	[sflag:s23] =	ssyncset.done $0x0  }
0xa4: {  	[sflag:s23] =	ssyncadd.s32 $0xFFFFFFFF  }
0xa5: {  	s5 =	sld [smem:$0x0]  }
0xa6: {  	s6 =	sand.u32 $0xFFFFFFFE, s1  }
0xa7: {  	p0 =	sne.s32 s1, s6  }
0xa8: {  	s6 =	sshll.u32 @p0 s6, $0xE  }
0xa9: {  	s6 =	sadd.s32 @p0 $0x11B8D, s6;
	s7 =	sshll.u32 @p0 s5, $0x11  }
0xaa: {  	s6 =	sor.u32 @p0 s7, s6  }
0xab: {  	[sflag:s6] =	ssyncadd.remote.s32 @p0 $0x1;
	_ =	sdelay $0x1  }
0xac: {  	s6 =	simm.s32 @p0 $0x1B8D  }
0xad: {  	_ =	swait.eq @p0 [sflag:s6], $0x1  }
0xae: {  	[sflag:s6] =	ssyncadd.s32 @p0 $0xFFFFFFFF  }
0xaf: {  	s7 =	sshll.u32 @!p0 s1, $0xE  }
0xb0: {  	s7 =	sor.u32 @!p0 $0x4000, s7;
	s6 =	simm.s32 @!p0 $0x1B8D  }
0xb1: {  	s5 =	sshll.u32 @!p0 s5, $0x11;
	s7 =	sadd.s32 @!p0 $0x11B8D, s7;
	_ =	swait.eq @!p0 [sflag:s6], $0x1  }
0xb2: {  	s5 =	sor.u32 @!p0 s5, s7;
	[sflag:s6] =	ssyncadd.s32 @!p0 $0xFFFFFFFF  }
0xb3: {  	s25 =	simm.s32 $0x1B8E;
	s24 =	sld [smem:$0x3FFE];
	[sflag:s5] =	ssyncadd.remote.s32 @!p0 $0x1  }
0xb4: {  	s26 =	simm.s32 $execute0_lowered;
	[smem:$0x3FD2] =	sst s25  }
0xb5: {  	s6 =	sshll.u32 s26, $0x1;
	_ =	strace $0x80000049;
	[dreg:$0x1] =	wrdreg $0xFFFFFFFF  }
0xb6: {  	s28 =	simm.s32 $_size_execute0_lowered;
	s4 =	sadd.s32 s4, s6;
	[dreg:$0x0] =	wrdreg $0x0  }
0xb7: {  	s6 =	sshll.u32 s28, $0x1;
	[dreg:$0x2] =	wrdreg s4  }
0xb8: {  	[dreg:$0x3] =	wrdreg s6  }
0xb9: {  	[dreg:$0x4] =	wrdreg $0xC0  }
0xba: {  	_ =	task [dreg:s22], $0x5FFFF  }
0xbb: {  	[dreg:$0x1] =	wrdreg $0xFFFFFFFF  }
0xbc: {  	[dreg:$0x0] =	wrdreg $0x60  }
0xbd: {  	[dreg:$0x2] =	wrdreg s24  }
0xbe: {  	[dreg:$0x3] =	wrdreg s18  }
0xbf: {  	[dreg:$0x4] =	wrdreg $0x90000  }
0xc0: {  	[dreg:$0x5] =	wrdreg $0xA  }
0xc1: {  	_ =	task.clear_ibuf [dreg:s22], $0x6FFFF;
	_ =	strace $0x90000049  }
0xc2: {  	s29 =	simm.s32 $0xA;
	_ =	strace $0x8000004B  }
0xc3: {  	_ =	swait.ge [sflag:s29], $0x1  }
0xc4: {  	[sflag:s29] =	ssyncadd.s32 $0xFFFFFFFF  }
0xc5: {  	_ =	strace $0x9000004B  }
0xc6: {  	_ =	sfence  }
0xc7: {  	s30 =	sld [smem:$0x0];
	_ =	sdelay $0x2  }
0xc8: {  	s31 =	sshll.u32 s1, $0xD;
	s1 =	sshrl.u32 s1, $0x2  }
0xc9: {  	s4 =	sand.u32 $0x4000, s31;
	s1 =	sadd.s32 s1, s30  }
0xca: {  	s0 =	sor.u32 s4, s0;
	s1 =	sshll.u32 s1, $0x11  }
0xcb: {  	s0 =	sor.u32 s1, s0  }
0xcc: {  	s0 =	sadd.s32 $0x8F2B, s0  }
0xcd: {  	[sflag:s0] =	ssyncadd.remote.s32 $0x1  }
0xce: {  	_ =	sfence.sel $0xFFFF  }
0xcf: {  	[dreg:$0x0] =	wrdreg $0xFFFFFFFF;
	(pc) =	sbr.abs _section_cstart, $3  }
0xd0: {  	[dreg:$0x1] =	wrdreg $0xFFFFFFFF  }
0xd1: {  	_ =	task.clear_ibuf [dreg:s22], $0x2FFFF;
	_ =	strace $0x9FFFFFFF  }
0xd2: {  	(tm) =	ssettm $0x7FFFFFFF  }
0xd3: {  	_ =	shalt  }
tec
execute0_lowered:
.L_overlay_start_1:
0x0: {  	(tag) =	ssettag $0x1  }
0x1: {  	s5 =	rddreg [dreg:$0x0]  }
0x2: {  	s7 =	rddreg [dreg:$0x1]  }
0x3: {  	s2 =	rddreg [dreg:$0x2]  }
0x4: {  	s0 =	rddreg [dreg:$0x3]  }
0x5: {  	s1 =	stileid.u32;
	s4 =	srdreg.scid;
	s3 =	simm.s32 $0x0  }
0x6: {  	s15 =	simm.s32 $0x1;
	s16 =	simm.s32 $0x0;
	s6 =	smul.u32 $0x14000, s1  }
0x7: {  	s8 =	sand.u32 $0x1, s4;
	[smem:$0x7FF] =	sst s3;
	s4 =	sadd.s32 $0x36000, s5  }
0x8: {  	s26 =	smul.u32 $0x50000, s1;
	s11 =	sshll.u32 s1, $0x1;
	s31 =	sshll.u32 s1, $0x6  }
0x9: {  	s9 =	smul.u32 $0x140000, s8;
	_ =	strace $0x8000004A;
	s28 =	ssub.s32 $0x2, s8  }
0xa: {  	s29 =	sor.u32 s8, s11;
	s10 =	sshrl.u32 s6, $0x3;
	s30 =	sshrl.u32 s28, $0x1  }
0xb: {  	s11 =	smul.u32 $0x500, s29;
	s10 =	sadd.s32 s10, s5;
	s6 =	sadd.s32 s6, s9  }
0xc: {  	s9 =	sshrl.u32 s26, $0x2;
	s13 =	ssub.s32 s28, s30;
	s6 =	sshrl.u32 s6, $0x3  }
0xd: {  	s14 =	sadd.s32 s9, s2;
	s7 =	sadd.s32 s7, s11;
	s9 =	smax.u32 s13, $0x1  }
0xe: {  	s11 =	simm.s32 $0x2;
	s13 =	simm.s32 $0x80;
	s12 =	sadd.s32 s6, s5  }
0xf: {  	s5 =	sadd.s32 $0xE000, s10;
	s6 =	sor.u32 $0x1C02, s31;
	s10 =	sshrl.u32 s14, $0x3  }
0x10: {  	s14 =	simm.s32 $0x5000;
	s8 =	sadd.s32 $0xAE000, s12;
	s12 =	simm.s32 $0x2800  }
.LBB2_1:
0x11: {  	[spmem:s10], [sflag:s6] =	dma.local [hbm:s5], $0x2800  }
0x12: {  	_ =	swait.ge [sflag:s11], $0x2800  }
0x13: {  	[sflag:s11] =	ssyncset.done $0x0  }
0x14: {  	[sflag:s11] =	ssyncadd.s32 $0xFFFFD800  }
0x15: {  	[tilespmem:s3], [sflag:$0x2] =	stream.linear.gather [hbm4b:s7+s3], $0x2780, $0x38;
	[tilespmem:$0x1D000] =	vst v63  }
0x16: {  	_ =	swait.ge [sflag:s11], $0x2780  }
0x17: {  	[sflag:s11] =	ssyncset.done $0x0  }
0x18: {  	[sflag:s11] =	ssyncadd.s32 $0xFFFFD880  }
0x19: {  	[tilespmem:s12], [sflag:$0x2] =	stream.linear.gather [hbm4b:s7+s3], $0x2780, $0x38;
	[tilespmem:$0x1D000] =	vst v63  }
0x1a: {  	_ =	swait.ge [sflag:s11], $0x2780  }
0x1b: {  	[sflag:s11] =	ssyncset.done $0x0  }
0x1c: {  	[sflag:s11] =	ssyncadd.s32 $0xFFFFD880  }
0x1d: {  	s17 =	simm.s32 $0x0;
	[bflag:$0x0] =	sbarrier.arrive $0xFFFF  }
0x1e: {  	[tilespmem:s14], [sflag:$0x1] =	stream.indirect.gather [hbm4b:s4+s13], $0x80, s17, s13, $0xb8;
	[tilespmem:$0x1D000] =	vst v63  }
0x1f: {  	_ =	swait.ge [sflag:s15], $0x4000  }
0x20: {  	[sflag:s15] =	ssyncset.done $0x0  }
0x21: {  	s31 =	simm.s32 $0x2800;
	[sflag:s15] =	ssyncadd.s32 $0xFFFFC000  }
0x22: {  	[spmem:s2] =	stream.indirect.scatter.add.f32 [tilespmem:s14], [sflag:$0x2], $0x80, s31, s13, $0xb8;
	[tilespmem:$0x1D000] =	vst v63  }
0x23: {  	_ =	swait.ge [sflag:s11], $0x4000  }
0x24: {  	s18 =	simm.s32 $0x400;
	s17 =	simm.s32 $0x200;
	[sflag:s11] =	ssyncset.done $0x0  }
.LBB2_2:
0x25: {  	s19 =	sshra.s32 s17, $0x2  }
0x26: {  	[sflag:s11] =	ssyncadd.s32 $0xFFFFC000;
	s17 =	smov.u32 s18;
	s20 =	sadd.s32 $0x200, s18  }
0x27: {  	[tilespmem:s14], [sflag:$0x1] =	stream.indirect.gather [hbm4b:s4+s13], $0x80, s19, s13, $0xb8;
	[tilespmem:$0x1D000] =	vst v63  }
0x28: {  	p0 =	sne.s32 s18, $0x9C00;
	_ =	swait.ge [sflag:s15], $0x4000  }
.Ltmp0:
0x29: {  	[sflag:s15] =	ssyncset.done $0x0;
	(pc) =	sbr.rel @p0 .LBB2_2-.Ltmp0, $4  }
0x2a: {  	s18 =	sadd.s32 $0x2800, s19;
	[sflag:s15] =	ssyncadd.s32 $0xFFFFC000  }
0x2b: {  	[spmem:s2] =	stream.indirect.scatter.add.f32 [tilespmem:s14], [sflag:$0x2], $0x80, s18, s13, $0xb8;
	[tilespmem:$0x1D000] =	vst v63  }
0x2c: {  	_ =	swait.ge [sflag:s11], $0x4000  }
0x2d: {  	s18 =	smov.u32 s20;
	[sflag:s11] =	ssyncset.done $0x0  }
0x2e: {  	s17 =	sshra.s32 s17, $0x2;
	[sflag:s11] =	ssyncadd.s32 $0xFFFFC000  }
0x2f: {  	[tilespmem:s14], [sflag:$0x1] =	stream.indirect.gather [hbm4b:s4+s13], $0x80, s17, s13, $0xb8;
	[tilespmem:$0x1D000] =	vst v63  }
0x30: {  	_ =	swait.ge [sflag:s15], $0x4000  }
0x31: {  	[sflag:s15] =	ssyncset.done $0x0  }
0x32: {  	s17 =	sadd.s32 $0x2800, s17;
	[sflag:s15] =	ssyncadd.s32 $0xFFFFC000  }
0x33: {  	[spmem:s2] =	stream.indirect.scatter.add.f32 [tilespmem:s14], [sflag:$0x2], $0x80, s17, s13, $0xb8;
	[tilespmem:$0x1D000] =	vst v63  }
0x34: {  	_ =	swait.ge [sflag:s11], $0x4000  }
0x35: {  	s16 =	sadd.s32 $0x1, s16;
	[sflag:s11] =	ssyncset.done $0x0  }
0x36: {  	p0 =	sne.s32 s16, s9;
	[sflag:s11] =	ssyncadd.s32 $0xFFFFC000  }
.Ltmp1:
0x37: {  	[bflag:$0x0] =	sbarrier.arrive $0xFFFF;
	(pc) =	sbr.rel @p0 .LBB2_1-.Ltmp1, $4  }
0x38: {  	[hbm:s8], [sflag:s6] =	dma.local [spmem:s10], $0x2800  }
0x39: {  	_ =	swait.ge [sflag:s11], $0x2800  }
0x3a: {  	[sflag:s11] =	ssyncset.done $0x0  }
0x3b: {  	[sflag:s11] =	ssyncadd.s32 $0xFFFFD800  }
0x3c: {  	_ =	sfence.sel $0x180000  }
0x3d: {  	[bflag:$0x0] =	sbarrier.arrive $0xFFFF  }
0x3e: {  	p0 =	sne.s32 s1, $0x0;
	_ =	strace $0x9000004A  }
0x3f: {  	s0 =	sadd.s32 @!p0 $0x100000, s0;
	[bflag:$0x2] =	sbarrier.arrive $0xFFFF  }
0x40: {  	[sflag:s0] =	ssyncadd.tile.s32 @!p0 $0x1;
	_ =	shalt  }
.Lfunc_end2:
_tile_overlayer_lowered:
.L_overlay_start_2:
0x41: {  	(tag) =	ssettag $0x2  }
0x42: {  	s0 =	rddreg [dreg:$0x0];
	s2 =	stileid.u32  }
0x43: {  	s1 =	rddreg [dreg:$0x1];
	p0 =	sne.s32 s2, $0x0  }
0x44: {  	s3 =	rddreg [dreg:$0x2];
	[bflag:$0x3] =	sbarrier.arrive $0xFFFF;
	s2 =	simm.s32 @!p0 $0x1C02  }
0x45: {  	[timem:s3], [sflag:s2] =	dma.local @!p0 [hbm:s0], s1  }
0x46: {  	s0 =	simm.s32 @!p0 $0x2  }
0x47: {  	_ =	swait.ge @!p0 [sflag:s0], s1  }
0x48: {  	s1 =	ssub.s32 @!p0 $0x0, s1;
	[sflag:s0] =	ssyncset.done @!p0 $0x0  }
0x49: {  	[sflag:s0] =	ssyncadd.s32 @!p0 s1  }
0x4a: {  	[bflag:$0x3] =	sbarrier.arrive $0xFFFF  }
0x4b: {  	_ =	shalt  }

// kernel: kernel.17.cloned.1.call-start
scs
__scs_entry_jumppad:
0x0: {  	(pc) =	sbr.rel $0x88, $3  }
0x1: {  	(tag) =	ssettag $0x0;
	lr =	simm.s32 $0x1  }
0x2: {  	[smem:$0x3F99] =	sst lr;
	_ =	strace $0xD0000000  }
0x3: {  	_ = 	snop  }
0x4: {  	_ = 	snop  }
0x5: {  	_ = 	snop  }
0x6: {  	_ = 	snop  }
0x7: {  	_ = 	snop  }
__scs_overlays_trampoline_lowered:
0x8: {  	[smem:$0x3FA8] =	sst s0  }
0x9: {  	[smem:$0x3FA9] =	sst s1  }
0xa: {  	[smem:$0x3FAA] =	sst s2  }
0xb: {  	[smem:$0x3FAB] =	sst s3  }
0xc: {  	[smem:$0x3FAC] =	sst s4  }
0xd: {  	[smem:$0x3FAD] =	sst s5  }
0xe: {  	[smem:$0x3FAE] =	sst s6  }
0xf: {  	[smem:$0x3FAF] =	sst s7  }
0x10: {  	[smem:$0x3FB0] =	sst s8  }
0x11: {  	[smem:$0x3FB1] =	sst s9;
	s0 =	simm.s32 @!p0 $0x0  }
0x12: {  	s1 =	sld [smem:$0x3F97];
	s0 =	simm.s32 @p0 $0x1  }
0x13: {  	[smem:$0x3FB2] =	sst s0;
	s0 =	simm.s32 @!p1 $0x0  }
0x14: {  	s2 =	sld [smem:$0x3F96];
	s0 =	simm.s32 @p1 $0x1  }
0x15: {  	[smem:$0x3FB3] =	sst s0;
	s0 =	simm.s32 @!p2 $0x0  }
0x16: {  	s3 =	sld [smem:$0x3FDB];
	s0 =	simm.s32 @p2 $0x1  }
0x17: {  	s4 =	simm.s32 $0x1BF5;
	[smem:$0x3FB5] =	sst s0  }
0x18: {  	s0 =	sld [smem:$0x3F98];
	_ =	swait.ge [sflag:s4], $0x0  }
0x19: {  	s7 =	sld [smem:$0x3F99]  }
0x1a: {  	s8 =	sadd.s32 $0xFFFFE003, lr  }
0x1b: {  	s9 =	sadd.s32 $0xFFFFFEF7, lr;
	s5 =	simm.s32 $0xFFFFFFFF;
	p2 =	slt.u32 s8, $0xFFFFF086  }
0x1c: {  	p1 =	slt.u32 s9, $0xF7A;
	s5 =	simm.s32 @!p2 $0x0  }
0x1d: {  	s5 =	simm.s32 @p1 $0x1;
	p0 =	seq.s32 s7, s2  }
0x1e: {  	s7 =	smul.u32 @!p0 $0xF7A, s2;
	p2 =	seq.s32 @!p0 s5, $0x0  }
0x1f: {  	s9 =	smul.u32 $0xF7A, s1;
	s8 =	simm.s32 @!p0 $0x1BF5;
	p2 =	por !p2, p0  }
0x20: {  	[sflag:s8] =	ssyncset.s32 @!p0 $0xFFFFF086;
	s6 =	sadd.s32 @!p0 s3, s7;
	s7 =	simm.s32 @!p0 $0x108  }
0x21: {  	s3 =	sadd.s32 s3, s9;
	s6 =	sadd.s32 @!p0 $0x88, s6;
	s7 =	simm.s32 @p2 $0x1082  }
0x22: {  	[simem:s7], [sflag:s8] =	dma.local @!p0 [hbm:s6], $0xF7A  }
0x23: {  	s9 =	sor.u32 $0xD0000000, s2;
	s6 =	simm.s32 $0x108;
	_ =	swait.ge @!p0 [sflag:s8], $0x0  }
0x24: {  	s3 =	sadd.s32 $0x88, s3;
	s6 =	simm.s32 @!p1 $0x1082;
	[sflag:s4] =	ssyncset.s32 $0xFFFFF086  }
0x25: {  	[simem:s6], [sflag:s4] =	dma.local [hbm:s3], $0xF7A  }
0x26: {  	[smem:$0x3F99] =	sst s1;
	(tag) =	ssettag s2;
	_ =	strace s9  }
0x27: {  	s1 =	sld [smem:$0x3FA9]  }
0x28: {  	s2 =	sld [smem:$0x3FAA]  }
0x29: {  	s4 =	sld [smem:$0x3FAC]  }
0x2a: {  	p0 =	seq.s32 s5, $0x0;
	s5 =	sld [smem:$0x3FAD]  }
0x2b: {  	s6 =	sld [smem:$0x3FAE]  }
0x2c: {  	s7 =	sld [smem:$0x3FAF]  }
0x2d: {  	s3 =	simm.s32 $0x108;
	s8 =	sld [smem:$0x3FB0]  }
0x2e: {  	s3 =	simm.s32 @!p0 $0x1082;
	s9 =	sld [smem:$0x3FB1]  }
0x2f: {  	lr =	sadd.s32 s0, s3;
	s0 =	sld [smem:$0x3FA8]  }
0x30: {  	s3 =	sld [smem:$0x3FAB]  }
0x31: {  	[smem:$0x3FB4] =	sst s10  }
0x32: {  	s10 =	sld [smem:$0x3FB2];
	_ =	sdelay $0x3  }
0x33: {  	p0 =	seq.s32 s10, $0x1;
	s10 =	sld [smem:$0x3FB4];
	_ =	sdelay $0x3  }
0x34: {  	[smem:$0x3FB4] =	sst s10  }
0x35: {  	s10 =	sld [smem:$0x3FB3];
	_ =	sdelay $0x3  }
0x36: {  	p1 =	seq.s32 s10, $0x1;
	s10 =	sld [smem:$0x3FB4];
	_ =	sdelay $0x3  }
0x37: {  	[smem:$0x3FB4] =	sst s10  }
0x38: {  	s10 =	sld [smem:$0x3FB5]  }
0x39: {  	_ = 	snop;
	(pc) =	sbr.ind lr, $3  }
0x3a: {  	_ = 	snop  }
0x3b: {  	_ = 	snop  }
0x3c: {  	p2 =	seq.s32 s10, $0x1;
	s10 =	sld [smem:$0x3FB4]  }
0x3d: {  	_ =	shalt  }
0x3e: {  	_ =	shalt  }
0x3f: {  	_ =	shalt  }
0x40: {  	_ =	shalt  }
0x41: {  	_ =	shalt  }
0x42: {  	_ =	shalt  }
0x43: {  	_ =	shalt  }
0x44: {  	_ =	shalt  }
0x45: {  	_ =	shalt  }
0x46: {  	_ =	shalt  }
0x47: {  	_ =	shalt  }
0x48: {  	_ =	shalt  }
0x49: {  	_ =	shalt  }
0x4a: {  	_ =	shalt  }
0x4b: {  	_ =	shalt  }
0x4c: {  	_ =	shalt  }
0x4d: {  	_ =	shalt  }
0x4e: {  	_ =	shalt  }
0x4f: {  	_ =	shalt  }
0x50: {  	_ =	shalt  }
0x51: {  	_ =	shalt  }
0x52: {  	_ =	shalt  }
0x53: {  	_ =	shalt  }
0x54: {  	_ =	shalt  }
0x55: {  	_ =	shalt  }
0x56: {  	_ =	shalt  }
0x57: {  	_ =	shalt  }
0x58: {  	_ =	shalt  }
0x59: {  	_ =	shalt  }
0x5a: {  	_ =	shalt  }
0x5b: {  	_ =	shalt  }
0x5c: {  	_ =	shalt  }
0x5d: {  	_ =	shalt  }
0x5e: {  	_ =	shalt  }
0x5f: {  	_ =	shalt  }
0x60: {  	_ =	shalt  }
0x61: {  	_ =	shalt  }
0x62: {  	_ =	shalt  }
0x63: {  	_ =	shalt  }
0x64: {  	_ =	shalt  }
0x65: {  	_ =	shalt  }
0x66: {  	_ =	shalt  }
0x67: {  	_ =	shalt  }
0x68: {  	_ =	shalt  }
0x69: {  	_ =	shalt  }
0x6a: {  	_ =	shalt  }
0x6b: {  	_ =	shalt  }
0x6c: {  	_ =	shalt  }
0x6d: {  	_ =	shalt  }
0x6e: {  	_ =	shalt  }
0x6f: {  	_ =	shalt  }
0x70: {  	_ =	shalt  }
0x71: {  	_ =	shalt  }
0x72: {  	_ =	shalt  }
0x73: {  	_ =	shalt  }
0x74: {  	_ =	shalt  }
0x75: {  	_ =	shalt  }
0x76: {  	_ =	shalt  }
0x77: {  	_ =	shalt  }
0x78: {  	_ =	shalt  }
0x79: {  	_ =	shalt  }
0x7a: {  	_ =	shalt  }
0x7b: {  	_ =	shalt  }
0x7c: {  	_ =	shalt  }
0x7d: {  	_ =	shalt  }
0x7e: {  	_ =	shalt  }
0x7f: {  	_ =	shalt  }
0x80: {  	_ =	shalt  }
0x81: {  	_ =	shalt  }
0x82: {  	_ =	shalt  }
0x83: {  	_ =	shalt  }
0x84: {  	_ =	shalt  }
0x85: {  	_ =	shalt  }
0x86: {  	_ =	shalt  }
0x87: {  	_ =	shalt  }
.Lfunc_end0:
.L_simem_size_0:
called_computation.2_lowered:
.L_overlay_start_0:
0x88: {  	s2 =	sld [smem:$0x3FD9]  }
0x89: {  	s3 =	sld [smem:$0x3FFE];
	_ =	sdelay $0x1  }
0x8a: {  	s1 =	srdreg.scid  }
0x8b: {  	s0 =	sand.u32 $0x1, s1  }
0x8c: {  	s17 =	sshll.u32 s0, $0xA;
	s2 =	sadd.s32 s3, s2  }
0x8d: {  	s2 =	sadd.s32 s2, s17  }
0x8e: {  	[smem:$0x3FC0] =	sst s2  }
0x8f: {  	_ = 	snop  }
0x90: {  	s2 =	sld [smem:$0x3FD0];
	(tm) =	ssettm $0x1  }
0x91: {  	s18 =	sld [smem:$0x3FFB];
	_ =	sdelay $0x3  }
0x92: {  	_ =	strace s18  }
0x93: {  	s3 =	sld [smem:$0x3FFC];
	_ =	sdelay $0x3  }
0x94: {  	_ =	strace s3  }
0x95: {  	s3 =	sld [smem:$0x3FFD];
	_ =	sdelay $0x3  }
0x96: {  	_ =	strace s3  }
0x97: {  	_ =	strace $0x8FFFFFFF  }
0x98: {  	s19 =	sld [smem:$0x3FDB];
	_ =	sdelay $0x1  }
0x99: {  	s4 =	simm.s32 $_scs_section_size  }
0x9a: {  	s5 =	simm.s32 $_size__tile_overlayer_lowered;
	s6 =	simm.s32 $_tile_overlayer_lowered  }
0x9b: {  	s22 =	simm.s32 $0x1BFF;
	s21 =	sshll.u32 s6, $0x1;
	s3 =	sadd.s32 s4, s19  }
0x9c: {  	s7 =	simm.s32 $0x0;
	s20 =	sshll.u32 s5, $0x1;
	s5 =	sadd.s32 s21, s3  }
0x9d: {  	[timem:s7], [sflag:s22] =	dma.local [hbm:s5], s20  }
0x9e: {  	_ =	swait.ge [sflag:s22], s20  }
0x9f: {  	s4 =	ssub.s32 $0x0, s20;
	[sflag:s22] =	ssyncset.done $0x0  }
0xa0: {  	[sflag:s22] =	ssyncadd.s32 s4;
	_ =	sdelay $0x1  }
0xa1: {  	s23 =	simm.s32 $0x1B8B  }
0xa2: {  	_ =	swait.ge [sflag:s23], $0x1  }
0xa3: {  	[sflag:s23] =	ssyncset.done $0x0  }
0xa4: {  	s25 =	simm.s32 $0x1B8E;
	s24 =	sld [smem:$0x3FFE];
	[sflag:s23] =	ssyncadd.s32 $0xFFFFFFFF  }
0xa5: {  	s26 =	simm.s32 $execute0_lowered;
	[smem:$0x3FD2] =	sst s25  }
0xa6: {  	s5 =	sshll.u32 s26, $0x1;
	_ =	strace $0x8000004C;
	[dreg:$0x1] =	wrdreg $0xFFFFFFFF  }
0xa7: {  	s28 =	simm.s32 $_size_execute0_lowered;
	s3 =	sadd.s32 s3, s5;
	[dreg:$0x0] =	wrdreg $0x0  }
0xa8: {  	s5 =	sshll.u32 s28, $0x1;
	[dreg:$0x2] =	wrdreg s3  }
0xa9: {  	[dreg:$0x3] =	wrdreg s5  }
0xaa: {  	[dreg:$0x4] =	wrdreg $0xC0  }
0xab: {  	_ =	task [dreg:s7], $0x5FFFF  }
0xac: {  	[dreg:$0x1] =	wrdreg $0xFFFFFFFF  }
0xad: {  	[dreg:$0x0] =	wrdreg $0x60  }
0xae: {  	[dreg:$0x2] =	wrdreg s24  }
0xaf: {  	[dreg:$0x3] =	wrdreg s2  }
0xb0: {  	[dreg:$0x4] =	wrdreg $0x90000  }
0xb1: {  	[dreg:$0x5] =	wrdreg $0x9  }
0xb2: {  	_ =	task.clear_ibuf [dreg:s7], $0x6FFFF;
	_ =	strace $0x9000004C  }
0xb3: {  	s29 =	simm.s32 $0x9;
	_ =	strace $0x8000004E  }
0xb4: {  	_ =	swait.ge [sflag:s29], $0x1  }
0xb5: {  	[sflag:s29] =	ssyncadd.s32 $0xFFFFFFFF  }
0xb6: {  	_ =	strace $0x9000004E  }
0xb7: {  	_ =	sfence  }
0xb8: {  	s30 =	sld [smem:$0x0];
	_ =	sdelay $0x2  }
0xb9: {  	s31 =	sshll.u32 s1, $0xD;
	s1 =	sshrl.u32 s1, $0x2  }
0xba: {  	s3 =	sand.u32 $0x4000, s31;
	s1 =	sadd.s32 s1, s30  }
0xbb: {  	s0 =	sor.u32 s3, s0;
	s1 =	sshll.u32 s1, $0x11  }
0xbc: {  	s0 =	sor.u32 s1, s0  }
0xbd: {  	s0 =	sadd.s32 $0x8F2B, s0  }
0xbe: {  	[sflag:s0] =	ssyncadd.remote.s32 $0x1  }
0xbf: {  	_ =	sfence.sel $0xFFFF  }
0xc0: {  	[dreg:$0x0] =	wrdreg $0xFFFFFFFF;
	(pc) =	sbr.abs _section_cstart, $3  }
0xc1: {  	[dreg:$0x1] =	wrdreg $0xFFFFFFFF  }
0xc2: {  	_ =	task.clear_ibuf [dreg:s7], $0x2FFFF;
	_ =	strace $0x9FFFFFFF  }
0xc3: {  	(tm) =	ssettm $0x7FFFFFFF  }
tec
execute0_lowered:
.L_overlay_start_1:
0x0: {  	(tag) =	ssettag $0x1  }
0x1: {  	s5 =	rddreg [dreg:$0x0]  }
0x2: {  	s1 =	srdreg.scid;
	s8 =	rddreg [dreg:$0x1]  }
0x3: {  	s0 =	stileid.u32;
	s2 =	rddreg [dreg:$0x2];
	s3 =	simm.s32 $0x0  }
0x4: {  	s16 =	simm.s32 $0x1;
	s17 =	simm.s32 $0x0;
	s6 =	sand.u32 $0x1, s1  }
0x5: {  	s28 =	sshll.u32 s0, $0x1;
	s1 =	rddreg [dreg:$0x3];
	s7 =	smul.u32 $0x14000, s0  }
0x6: {  	[smem:$0x7FF] =	sst s3;
	s29 =	smul.u32 $0x50000, s0;
	s31 =	sshll.u32 s0, $0x6  }
0x7: {  	s4 =	sor.u32 s6, s28;
	_ =	strace $0x8000004D;
	s10 =	smul.u32 $0x140000, s6  }
0x8: {  	s6 =	ssub.s32 $0x2, s6;
	s9 =	smul.u32 $0x500, s4;
	s4 =	sadd.s32 $0x36000, s5  }
0x9: {  	s12 =	sshrl.u32 s7, $0x3;
	s13 =	sshrl.u32 s6, $0x1;
	s30 =	sshrl.u32 s29, $0x2  }
0xa: {  	s7 =	sadd.s32 s7, s10;
	s12 =	sadd.s32 s12, s5;
	s13 =	ssub.s32 s6, s13  }
0xb: {  	s15 =	sadd.s32 s30, s2;
	s6 =	sor.u32 $0x1C02, s31;
	s11 =	sadd.s32 s9, s5  }
0xc: {  	s7 =	sshrl.u32 s7, $0x3;
	s8 =	sadd.s32 s8, s9;
	s10 =	smax.u32 s13, $0x1  }
0xd: {  	s13 =	simm.s32 $0x2800;
	s14 =	sadd.s32 s7, s5;
	s5 =	sadd.s32 $0xE000, s12  }
0xe: {  	s7 =	sadd.s32 $0x4000, s11;
	s11 =	sshrl.u32 s15, $0x3;
	s12 =	simm.s32 $0x2  }
0xf: {  	s15 =	simm.s32 $0x5000;
	s9 =	sadd.s32 $0xAE000, s14;
	s14 =	simm.s32 $0x80  }
.LBB2_1:
0x10: {  	[spmem:s11], [sflag:s6] =	dma.local [hbm:s5], $0x2800  }
0x11: {  	_ =	swait.ge [sflag:s12], $0x2800  }
0x12: {  	[sflag:s12] =	ssyncset.done $0x0  }
0x13: {  	[sflag:s12] =	ssyncadd.s32 $0xFFFFD800  }
0x14: {  	[tilespmem:s3], [sflag:$0x2] =	stream.linear.gather [hbm4b:s7+s3], $0x2780, $0x38;
	[tilespmem:$0x1D000] =	vst v63  }
0x15: {  	_ =	swait.ge [sflag:s12], $0x2780  }
0x16: {  	[sflag:s12] =	ssyncset.done $0x0  }
0x17: {  	[sflag:s12] =	ssyncadd.s32 $0xFFFFD880  }
0x18: {  	[tilespmem:s13], [sflag:$0x2] =	stream.linear.gather [hbm4b:s8+s3], $0x2780, $0x38;
	[tilespmem:$0x1D000] =	vst v63  }
0x19: {  	_ =	swait.ge [sflag:s12], $0x2780  }
0x1a: {  	[sflag:s12] =	ssyncset.done $0x0  }
0x1b: {  	[sflag:s12] =	ssyncadd.s32 $0xFFFFD880  }
0x1c: {  	s18 =	simm.s32 $0x0;
	[bflag:$0x0] =	sbarrier.arrive $0xFFFF  }
0x1d: {  	[tilespmem:s15], [sflag:$0x1] =	stream.indirect.gather [hbm4b:s4+s14], $0x80, s18, s14, $0xb8;
	[tilespmem:$0x1D000] =	vst v63  }
0x1e: {  	_ =	swait.ge [sflag:s16], $0x4000  }
0x1f: {  	[sflag:s16] =	ssyncset.done $0x0  }
0x20: {  	s31 =	simm.s32 $0x2800;
	[sflag:s16] =	ssyncadd.s32 $0xFFFFC000  }
0x21: {  	[spmem:s2] =	stream.indirect.scatter.add.f32 [tilespmem:s15], [sflag:$0x2], $0x80, s31, s14, $0xb8;
	[tilespmem:$0x1D000] =	vst v63  }
0x22: {  	_ =	swait.ge [sflag:s12], $0x4000  }
0x23: {  	s19 =	simm.s32 $0x400;
	s18 =	simm.s32 $0x200;
	[sflag:s12] =	ssyncset.done $0x0  }
.LBB2_2:
0x24: {  	s20 =	sshra.s32 s18, $0x2  }
0x25: {  	[sflag:s12] =	ssyncadd.s32 $0xFFFFC000;
	s18 =	smov.u32 s19;
	s21 =	sadd.s32 $0x200, s19  }
0x26: {  	[tilespmem:s15], [sflag:$0x1] =	stream.indirect.gather [hbm4b:s4+s14], $0x80, s20, s14, $0xb8;
	[tilespmem:$0x1D000] =	vst v63  }
0x27: {  	p0 =	sne.s32 s19, $0x9C00;
	_ =	swait.ge [sflag:s16], $0x4000  }
.Ltmp0:
0x28: {  	[sflag:s16] =	ssyncset.done $0x0;
	(pc) =	sbr.rel @p0 .LBB2_2-.Ltmp0, $4  }
0x29: {  	s19 =	sadd.s32 $0x2800, s20;
	[sflag:s16] =	ssyncadd.s32 $0xFFFFC000  }
0x2a: {  	[spmem:s2] =	stream.indirect.scatter.add.f32 [tilespmem:s15], [sflag:$0x2], $0x80, s19, s14, $0xb8;
	[tilespmem:$0x1D000] =	vst v63  }
0x2b: {  	_ =	swait.ge [sflag:s12], $0x4000  }
0x2c: {  	s19 =	smov.u32 s21;
	[sflag:s12] =	ssyncset.done $0x0  }
0x2d: {  	s18 =	sshra.s32 s18, $0x2;
	[sflag:s12] =	ssyncadd.s32 $0xFFFFC000  }
0x2e: {  	[tilespmem:s15], [sflag:$0x1] =	stream.indirect.gather [hbm4b:s4+s14], $0x80, s18, s14, $0xb8;
	[tilespmem:$0x1D000] =	vst v63  }
0x2f: {  	_ =	swait.ge [sflag:s16], $0x4000  }
0x30: {  	[sflag:s16] =	ssyncset.done $0x0  }
0x31: {  	s18 =	sadd.s32 $0x2800, s18;
	[sflag:s16] =	ssyncadd.s32 $0xFFFFC000  }
0x32: {  	[spmem:s2] =	stream.indirect.scatter.add.f32 [tilespmem:s15], [sflag:$0x2], $0x80, s18, s14, $0xb8;
	[tilespmem:$0x1D000] =	vst v63  }
0x33: {  	_ =	swait.ge [sflag:s12], $0x4000  }
0x34: {  	s17 =	sadd.s32 $0x1, s17;
	[sflag:s12] =	ssyncset.done $0x0  }
0x35: {  	p0 =	sne.s32 s17, s10;
	[sflag:s12] =	ssyncadd.s32 $0xFFFFC000  }
.Ltmp1:
0x36: {  	[bflag:$0x0] =	sbarrier.arrive $0xFFFF;
	(pc) =	sbr.rel @p0 .LBB2_1-.Ltmp1, $4  }
0x37: {  	[hbm:s9], [sflag:s6] =	dma.local [spmem:s11], $0x2800  }
0x38: {  	_ =	swait.ge [sflag:s12], $0x2800  }
0x39: {  	[sflag:s12] =	ssyncset.done $0x0  }
0x3a: {  	[sflag:s12] =	ssyncadd.s32 $0xFFFFD800  }
0x3b: {  	_ =	sfence.sel $0x180000  }
0x3c: {  	[bflag:$0x0] =	sbarrier.arrive $0xFFFF  }
0x3d: {  	p0 =	sne.s32 s0, $0x0;
	_ =	strace $0x9000004D  }
0x3e: {  	s0 =	sadd.s32 @!p0 $0x100000, s1;
	[bflag:$0x2] =	sbarrier.arrive $0xFFFF  }
0x3f: {  	[sflag:s0] =	ssyncadd.tile.s32 @!p0 $0x1;
	_ =	shalt  }
.Lfunc_end2:
_tile_overlayer_lowered:
.L_overlay_start_2:
0x40: {  	(tag) =	ssettag $0x2  }
0x41: {  	s0 =	rddreg [dreg:$0x0];
	s2 =	stileid.u32  }
0x42: {  	s1 =	rddreg [dreg:$0x1];
	p0 =	sne.s32 s2, $0x0  }
0x43: {  	s3 =	rddreg [dreg:$0x2];
	[bflag:$0x3] =	sbarrier.arrive $0xFFFF;
	s2 =	simm.s32 @!p0 $0x1C02  }
0x44: {  	[timem:s3], [sflag:s2] =	dma.local @!p0 [hbm:s0], s1  }
0x45: {  	s0 =	simm.s32 @!p0 $0x2  }
0x46: {  	_ =	swait.ge @!p0 [sflag:s0], s1  }
0x47: {  	s1 =	ssub.s32 @!p0 $0x0, s1;
	[sflag:s0] =	ssyncset.done @!p0 $0x0  }
0x48: {  	[sflag:s0] =	ssyncadd.s32 @!p0 s1  }
0x49: {  	[bflag:$0x3] =	sbarrier.arrive $0xFFFF  }
0x4a: {  	_ =	shalt  }

// kernel: kernel.20.cloned.1.call-start
scs
__scs_entry_jumppad:
0x0: {  	(pc) =	sbr.rel $0x88, $3  }
0x1: {  	(tag) =	ssettag $0x0;
	lr =	simm.s32 $0x1  }
0x2: {  	[smem:$0x3F99] =	sst lr;
	_ =	strace $0xD0000000  }
0x3: {  	_ = 	snop  }
0x4: {  	_ = 	snop  }
0x5: {  	_ = 	snop  }
0x6: {  	_ = 	snop  }
0x7: {  	_ = 	snop  }
__scs_overlays_trampoline_lowered:
0x8: {  	[smem:$0x3FA8] =	sst s0  }
0x9: {  	[smem:$0x3FA9] =	sst s1  }
0xa: {  	[smem:$0x3FAA] =	sst s2  }
0xb: {  	[smem:$0x3FAB] =	sst s3  }
0xc: {  	[smem:$0x3FAC] =	sst s4  }
0xd: {  	[smem:$0x3FAD] =	sst s5  }
0xe: {  	[smem:$0x3FAE] =	sst s6  }
0xf: {  	[smem:$0x3FAF] =	sst s7  }
0x10: {  	[smem:$0x3FB0] =	sst s8  }
0x11: {  	[smem:$0x3FB1] =	sst s9;
	s0 =	simm.s32 @!p0 $0x0  }
0x12: {  	s1 =	sld [smem:$0x3F97];
	s0 =	simm.s32 @p0 $0x1  }
0x13: {  	[smem:$0x3FB2] =	sst s0;
	s0 =	simm.s32 @!p1 $0x0  }
0x14: {  	s2 =	sld [smem:$0x3F96];
	s0 =	simm.s32 @p1 $0x1  }
0x15: {  	[smem:$0x3FB3] =	sst s0;
	s0 =	simm.s32 @!p2 $0x0  }
0x16: {  	s3 =	sld [smem:$0x3FDB];
	s0 =	simm.s32 @p2 $0x1  }
0x17: {  	s4 =	simm.s32 $0x1BF5;
	[smem:$0x3FB5] =	sst s0  }
0x18: {  	s0 =	sld [smem:$0x3F98];
	_ =	swait.ge [sflag:s4], $0x0  }
0x19: {  	s7 =	sld [smem:$0x3F99]  }
0x1a: {  	s8 =	sadd.s32 $0xFFFFE003, lr  }
0x1b: {  	s9 =	sadd.s32 $0xFFFFFEF7, lr;
	s5 =	simm.s32 $0xFFFFFFFF;
	p2 =	slt.u32 s8, $0xFFFFF086  }
0x1c: {  	p1 =	slt.u32 s9, $0xF7A;
	s5 =	simm.s32 @!p2 $0x0  }
0x1d: {  	s5 =	simm.s32 @p1 $0x1;
	p0 =	seq.s32 s7, s2  }
0x1e: {  	s7 =	smul.u32 @!p0 $0xF7A, s2;
	p2 =	seq.s32 @!p0 s5, $0x0  }
0x1f: {  	s9 =	smul.u32 $0xF7A, s1;
	s8 =	simm.s32 @!p0 $0x1BF5;
	p2 =	por !p2, p0  }
0x20: {  	[sflag:s8] =	ssyncset.s32 @!p0 $0xFFFFF086;
	s6 =	sadd.s32 @!p0 s3, s7;
	s7 =	simm.s32 @!p0 $0x108  }
0x21: {  	s3 =	sadd.s32 s3, s9;
	s6 =	sadd.s32 @!p0 $0x88, s6;
	s7 =	simm.s32 @p2 $0x1082  }
0x22: {  	[simem:s7], [sflag:s8] =	dma.local @!p0 [hbm:s6], $0xF7A  }
0x23: {  	s9 =	sor.u32 $0xD0000000, s2;
	s6 =	simm.s32 $0x108;
	_ =	swait.ge @!p0 [sflag:s8], $0x0  }
0x24: {  	s3 =	sadd.s32 $0x88, s3;
	s6 =	simm.s32 @!p1 $0x1082;
	[sflag:s4] =	ssyncset.s32 $0xFFFFF086  }
0x25: {  	[simem:s6], [sflag:s4] =	dma.local [hbm:s3], $0xF7A  }
0x26: {  	[smem:$0x3F99] =	sst s1;
	(tag) =	ssettag s2;
	_ =	strace s9  }
0x27: {  	s1 =	sld [smem:$0x3FA9]  }
0x28: {  	s2 =	sld [smem:$0x3FAA]  }
0x29: {  	s4 =	sld [smem:$0x3FAC]  }
0x2a: {  	p0 =	seq.s32 s5, $0x0;
	s5 =	sld [smem:$0x3FAD]  }
0x2b: {  	s6 =	sld [smem:$0x3FAE]  }
0x2c: {  	s7 =	sld [smem:$0x3FAF]  }
0x2d: {  	s3 =	simm.s32 $0x108;
	s8 =	sld [smem:$0x3FB0]  }
0x2e: {  	s3 =	simm.s32 @!p0 $0x1082;
	s9 =	sld [smem:$0x3FB1]  }
0x2f: {  	lr =	sadd.s32 s0, s3;
	s0 =	sld [smem:$0x3FA8]  }
0x30: {  	s3 =	sld [smem:$0x3FAB]  }
0x31: {  	[smem:$0x3FB4] =	sst s10  }
0x32: {  	s10 =	sld [smem:$0x3FB2];
	_ =	sdelay $0x3  }
0x33: {  	p0 =	seq.s32 s10, $0x1;
	s10 =	sld [smem:$0x3FB4];
	_ =	sdelay $0x3  }
0x34: {  	[smem:$0x3FB4] =	sst s10  }
0x35: {  	s10 =	sld [smem:$0x3FB3];
	_ =	sdelay $0x3  }
0x36: {  	p1 =	seq.s32 s10, $0x1;
	s10 =	sld [smem:$0x3FB4];
	_ =	sdelay $0x3  }
0x37: {  	[smem:$0x3FB4] =	sst s10  }
0x38: {  	s10 =	sld [smem:$0x3FB5]  }
0x39: {  	_ = 	snop;
	(pc) =	sbr.ind lr, $3  }
0x3a: {  	_ = 	snop  }
0x3b: {  	_ = 	snop  }
0x3c: {  	p2 =	seq.s32 s10, $0x1;
	s10 =	sld [smem:$0x3FB4]  }
0x3d: {  	_ =	shalt  }
0x3e: {  	_ =	shalt  }
0x3f: {  	_ =	shalt  }
0x40: {  	_ =	shalt  }
0x41: {  	_ =	shalt  }
0x42: {  	_ =	shalt  }
0x43: {  	_ =	shalt  }
0x44: {  	_ =	shalt  }
0x45: {  	_ =	shalt  }
0x46: {  	_ =	shalt  }
0x47: {  	_ =	shalt  }
0x48: {  	_ =	shalt  }
0x49: {  	_ =	shalt  }
0x4a: {  	_ =	shalt  }
0x4b: {  	_ =	shalt  }
0x4c: {  	_ =	shalt  }
0x4d: {  	_ =	shalt  }
0x4e: {  	_ =	shalt  }
0x4f: {  	_ =	shalt  }
0x50: {  	_ =	shalt  }
0x51: {  	_ =	shalt  }
0x52: {  	_ =	shalt  }
0x53: {  	_ =	shalt  }
0x54: {  	_ =	shalt  }
0x55: {  	_ =	shalt  }
0x56: {  	_ =	shalt  }
0x57: {  	_ =	shalt  }
0x58: {  	_ =	shalt  }
0x59: {  	_ =	shalt  }
0x5a: {  	_ =	shalt  }
0x5b: {  	_ =	shalt  }
0x5c: {  	_ =	shalt  }
0x5d: {  	_ =	shalt  }
0x5e: {  	_ =	shalt  }
0x5f: {  	_ =	shalt  }
0x60: {  	_ =	shalt  }
0x61: {  	_ =	shalt  }
0x62: {  	_ =	shalt  }
0x63: {  	_ =	shalt  }
0x64: {  	_ =	shalt  }
0x65: {  	_ =	shalt  }
0x66: {  	_ =	shalt  }
0x67: {  	_ =	shalt  }
0x68: {  	_ =	shalt  }
0x69: {  	_ =	shalt  }
0x6a: {  	_ =	shalt  }
0x6b: {  	_ =	shalt  }
0x6c: {  	_ =	shalt  }
0x6d: {  	_ =	shalt  }
0x6e: {  	_ =	shalt  }
0x6f: {  	_ =	shalt  }
0x70: {  	_ =	shalt  }
0x71: {  	_ =	shalt  }
0x72: {  	_ =	shalt  }
0x73: {  	_ =	shalt  }
0x74: {  	_ =	shalt  }
0x75: {  	_ =	shalt  }
0x76: {  	_ =	shalt  }
0x77: {  	_ =	shalt  }
0x78: {  	_ =	shalt  }
0x79: {  	_ =	shalt  }
0x7a: {  	_ =	shalt  }
0x7b: {  	_ =	shalt  }
0x7c: {  	_ =	shalt  }
0x7d: {  	_ =	shalt  }
0x7e: {  	_ =	shalt  }
0x7f: {  	_ =	shalt  }
0x80: {  	_ =	shalt  }
0x81: {  	_ =	shalt  }
0x82: {  	_ =	shalt  }
0x83: {  	_ =	shalt  }
0x84: {  	_ =	shalt  }
0x85: {  	_ =	shalt  }
0x86: {  	_ =	shalt  }
0x87: {  	_ =	shalt  }
.Lfunc_end0:
.L_simem_size_0:
called_computation.3_lowered:
.L_overlay_start_0:
0x88: {  	s2 =	sld [smem:$0x3FD9]  }
0x89: {  	s3 =	sld [smem:$0x3FFE];
	_ =	sdelay $0x1  }
0x8a: {  	s1 =	srdreg.scid  }
0x8b: {  	s0 =	sand.u32 $0x1, s1  }
0x8c: {  	s17 =	sshll.u32 s0, $0xA;
	s2 =	sadd.s32 s3, s2  }
0x8d: {  	s2 =	sadd.s32 s2, s17  }
0x8e: {  	[smem:$0x3FC0] =	sst s2  }
0x8f: {  	_ = 	snop  }
0x90: {  	s2 =	sld [smem:$0x3FD0];
	(tm) =	ssettm $0x1  }
0x91: {  	s18 =	sld [smem:$0x3FFB];
	_ =	sdelay $0x3  }
0x92: {  	_ =	strace s18  }
0x93: {  	s3 =	sld [smem:$0x3FFC];
	_ =	sdelay $0x3  }
0x94: {  	_ =	strace s3  }
0x95: {  	s3 =	sld [smem:$0x3FFD];
	_ =	sdelay $0x3  }
0x96: {  	_ =	strace s3  }
0x97: {  	_ =	strace $0x8FFFFFFF  }
0x98: {  	s19 =	sld [smem:$0x3FDB];
	_ =	sdelay $0x1  }
0x99: {  	s4 =	simm.s32 $_scs_section_size  }
0x9a: {  	s5 =	simm.s32 $_size__tile_overlayer_lowered;
	s6 =	simm.s32 $_tile_overlayer_lowered  }
0x9b: {  	s22 =	simm.s32 $0x1BFF;
	s21 =	sshll.u32 s6, $0x1;
	s3 =	sadd.s32 s4, s19  }
0x9c: {  	s7 =	simm.s32 $0x0;
	s20 =	sshll.u32 s5, $0x1;
	s5 =	sadd.s32 s21, s3  }
0x9d: {  	[timem:s7], [sflag:s22] =	dma.local [hbm:s5], s20  }
0x9e: {  	_ =	swait.ge [sflag:s22], s20  }
0x9f: {  	s4 =	ssub.s32 $0x0, s20;
	[sflag:s22] =	ssyncset.done $0x0  }
0xa0: {  	[sflag:s22] =	ssyncadd.s32 s4;
	_ =	sdelay $0x1  }
0xa1: {  	s23 =	simm.s32 $0x1B8B  }
0xa2: {  	_ =	swait.ge [sflag:s23], $0x1  }
0xa3: {  	[sflag:s23] =	ssyncset.done $0x0  }
0xa4: {  	s25 =	simm.s32 $0x1B8E;
	s24 =	sld [smem:$0x3FFE];
	[sflag:s23] =	ssyncadd.s32 $0xFFFFFFFF  }
0xa5: {  	s26 =	simm.s32 $execute0_lowered;
	[smem:$0x3FD2] =	sst s25  }
0xa6: {  	s5 =	sshll.u32 s26, $0x1;
	_ =	strace $0x8000004F;
	[dreg:$0x1] =	wrdreg $0xFFFFFFFF  }
0xa7: {  	s28 =	simm.s32 $_size_execute0_lowered;
	s3 =	sadd.s32 s3, s5;
	[dreg:$0x0] =	wrdreg $0x0  }
0xa8: {  	s5 =	sshll.u32 s28, $0x1;
	[dreg:$0x2] =	wrdreg s3  }
0xa9: {  	[dreg:$0x3] =	wrdreg s5  }
0xaa: {  	[dreg:$0x4] =	wrdreg $0xC0  }
0xab: {  	_ =	task [dreg:s7], $0x5FFFF  }
0xac: {  	[dreg:$0x1] =	wrdreg $0xFFFFFFFF  }
0xad: {  	[dreg:$0x0] =	wrdreg $0x60  }
0xae: {  	[dreg:$0x2] =	wrdreg s24  }
0xaf: {  	[dreg:$0x3] =	wrdreg s2  }
0xb0: {  	[dreg:$0x4] =	wrdreg $0x90000  }
0xb1: {  	[dreg:$0x5] =	wrdreg $0x9  }
0xb2: {  	_ =	task.clear_ibuf [dreg:s7], $0x6FFFF;
	_ =	strace $0x9000004F  }
0xb3: {  	s29 =	simm.s32 $0x9;
	_ =	strace $0x80000051  }
0xb4: {  	_ =	swait.ge [sflag:s29], $0x1  }
0xb5: {  	[sflag:s29] =	ssyncadd.s32 $0xFFFFFFFF  }
0xb6: {  	_ =	strace $0x90000051  }
0xb7: {  	_ =	sfence  }
0xb8: {  	s30 =	sld [smem:$0x0];
	_ =	sdelay $0x2  }
0xb9: {  	s31 =	sshll.u32 s1, $0xD;
	s1 =	sshrl.u32 s1, $0x2  }
0xba: {  	s3 =	sand.u32 $0x4000, s31;
	s1 =	sadd.s32 s1, s30  }
0xbb: {  	s0 =	sor.u32 s3, s0;
	s1 =	sshll.u32 s1, $0x11  }
0xbc: {  	s0 =	sor.u32 s1, s0  }
0xbd: {  	s0 =	sadd.s32 $0x8F2B, s0  }
0xbe: {  	[sflag:s0] =	ssyncadd.remote.s32 $0x1  }
0xbf: {  	_ =	sfence.sel $0xFFFF  }
0xc0: {  	[dreg:$0x0] =	wrdreg $0xFFFFFFFF;
	(pc) =	sbr.abs _section_cstart, $3  }
0xc1: {  	[dreg:$0x1] =	wrdreg $0xFFFFFFFF  }
0xc2: {  	_ =	task.clear_ibuf [dreg:s7], $0x2FFFF;
	_ =	strace $0x9FFFFFFF  }
0xc3: {  	(tm) =	ssettm $0x7FFFFFFF  }
tec
execute0_lowered:
.L_overlay_start_1:
0x0: {  	(tag) =	ssettag $0x1  }
0x1: {  	s5 =	rddreg [dreg:$0x0]  }
0x2: {  	s1 =	srdreg.scid;
	s8 =	rddreg [dreg:$0x1]  }
0x3: {  	s0 =	stileid.u32;
	s2 =	rddreg [dreg:$0x2];
	s3 =	simm.s32 $0x0  }
0x4: {  	s16 =	simm.s32 $0x1;
	s17 =	simm.s32 $0x0;
	s6 =	sand.u32 $0x1, s1  }
0x5: {  	s28 =	sshll.u32 s0, $0x1;
	s1 =	rddreg [dreg:$0x3];
	s7 =	smul.u32 $0x14000, s0  }
0x6: {  	[smem:$0x7FF] =	sst s3;
	s29 =	smul.u32 $0x50000, s0;
	s31 =	sshll.u32 s0, $0x6  }
0x7: {  	s4 =	sor.u32 s6, s28;
	_ =	strace $0x80000050;
	s10 =	smul.u32 $0x140000, s6  }
0x8: {  	s6 =	ssub.s32 $0x2, s6;
	s9 =	smul.u32 $0x500, s4;
	s4 =	sadd.s32 $0x36000, s5  }
0x9: {  	s12 =	sshrl.u32 s7, $0x3;
	s13 =	sshrl.u32 s6, $0x1;
	s30 =	sshrl.u32 s29, $0x2  }
0xa: {  	s7 =	sadd.s32 s7, s10;
	s12 =	sadd.s32 s12, s5;
	s13 =	ssub.s32 s6, s13  }
0xb: {  	s15 =	sadd.s32 s30, s2;
	s6 =	sor.u32 $0x1C02, s31;
	s11 =	sadd.s32 s9, s5  }
0xc: {  	s7 =	sshrl.u32 s7, $0x3;
	s8 =	sadd.s32 s8, s9;
	s10 =	smax.u32 s13, $0x1  }
0xd: {  	s13 =	simm.s32 $0x2800;
	s14 =	sadd.s32 s7, s5;
	s5 =	sadd.s32 $0xE000, s12  }
0xe: {  	s7 =	sadd.s32 $0x4000, s11;
	s11 =	sshrl.u32 s15, $0x3;
	s12 =	simm.s32 $0x2  }
0xf: {  	s15 =	simm.s32 $0x5000;
	s9 =	sadd.s32 $0xD6000, s14;
	s14 =	simm.s32 $0x80  }
.LBB2_1:
0x10: {  	[spmem:s11], [sflag:s6] =	dma.local [hbm:s5], $0x2800  }
0x11: {  	_ =	swait.ge [sflag:s12], $0x2800  }
0x12: {  	[sflag:s12] =	ssyncset.done $0x0  }
0x13: {  	[sflag:s12] =	ssyncadd.s32 $0xFFFFD800  }
0x14: {  	[tilespmem:s3], [sflag:$0x2] =	stream.linear.gather [hbm4b:s7+s3], $0x2780, $0x38;
	[tilespmem:$0x1D000] =	vst v63  }
0x15: {  	_ =	swait.ge [sflag:s12], $0x2780  }
0x16: {  	[sflag:s12] =	ssyncset.done $0x0  }
0x17: {  	[sflag:s12] =	ssyncadd.s32 $0xFFFFD880  }
0x18: {  	[tilespmem:s13], [sflag:$0x2] =	stream.linear.gather [hbm4b:s8+s3], $0x2780, $0x38;
	[tilespmem:$0x1D000] =	vst v63  }
0x19: {  	_ =	swait.ge [sflag:s12], $0x2780  }
0x1a: {  	[sflag:s12] =	ssyncset.done $0x0  }
0x1b: {  	[sflag:s12] =	ssyncadd.s32 $0xFFFFD880  }
0x1c: {  	s18 =	simm.s32 $0x0;
	[bflag:$0x0] =	sbarrier.arrive $0xFFFF  }
0x1d: {  	[tilespmem:s15], [sflag:$0x1] =	stream.indirect.gather [hbm4b:s4+s14], $0x80, s18, s14, $0xb8;
	[tilespmem:$0x1D000] =	vst v63  }
0x1e: {  	_ =	swait.ge [sflag:s16], $0x4000  }
0x1f: {  	[sflag:s16] =	ssyncset.done $0x0  }
0x20: {  	s31 =	simm.s32 $0x2800;
	[sflag:s16] =	ssyncadd.s32 $0xFFFFC000  }
0x21: {  	[spmem:s2] =	stream.indirect.scatter.add.f32 [tilespmem:s15], [sflag:$0x2], $0x80, s31, s14, $0xb8;
	[tilespmem:$0x1D000] =	vst v63  }
0x22: {  	_ =	swait.ge [sflag:s12], $0x4000  }
0x23: {  	s19 =	simm.s32 $0x400;
	s18 =	simm.s32 $0x200;
	[sflag:s12] =	ssyncset.done $0x0  }
.LBB2_2:
0x24: {  	s20 =	sshra.s32 s18, $0x2  }
0x25: {  	[sflag:s12] =	ssyncadd.s32 $0xFFFFC000;
	s18 =	smov.u32 s19;
	s21 =	sadd.s32 $0x200, s19  }
0x26: {  	[tilespmem:s15], [sflag:$0x1] =	stream.indirect.gather [hbm4b:s4+s14], $0x80, s20, s14, $0xb8;
	[tilespmem:$0x1D000] =	vst v63  }
0x27: {  	p0 =	sne.s32 s19, $0x9C00;
	_ =	swait.ge [sflag:s16], $0x4000  }
.Ltmp0:
0x28: {  	[sflag:s16] =	ssyncset.done $0x0;
	(pc) =	sbr.rel @p0 .LBB2_2-.Ltmp0, $4  }
0x29: {  	s19 =	sadd.s32 $0x2800, s20;
	[sflag:s16] =	ssyncadd.s32 $0xFFFFC000  }
0x2a: {  	[spmem:s2] =	stream.indirect.scatter.add.f32 [tilespmem:s15], [sflag:$0x2], $0x80, s19, s14, $0xb8;
	[tilespmem:$0x1D000] =	vst v63  }
0x2b: {  	_ =	swait.ge [sflag:s12], $0x4000  }
0x2c: {  	s19 =	smov.u32 s21;
	[sflag:s12] =	ssyncset.done $0x0  }
0x2d: {  	s18 =	sshra.s32 s18, $0x2;
	[sflag:s12] =	ssyncadd.s32 $0xFFFFC000  }
0x2e: {  	[tilespmem:s15], [sflag:$0x1] =	stream.indirect.gather [hbm4b:s4+s14], $0x80, s18, s14, $0xb8;
	[tilespmem:$0x1D000] =	vst v63  }
0x2f: {  	_ =	swait.ge [sflag:s16], $0x4000  }
0x30: {  	[sflag:s16] =	ssyncset.done $0x0  }
0x31: {  	s18 =	sadd.s32 $0x2800, s18;
	[sflag:s16] =	ssyncadd.s32 $0xFFFFC000  }
0x32: {  	[spmem:s2] =	stream.indirect.scatter.add.f32 [tilespmem:s15], [sflag:$0x2], $0x80, s18, s14, $0xb8;
	[tilespmem:$0x1D000] =	vst v63  }
0x33: {  	_ =	swait.ge [sflag:s12], $0x4000  }
0x34: {  	s17 =	sadd.s32 $0x1, s17;
	[sflag:s12] =	ssyncset.done $0x0  }
0x35: {  	p0 =	sne.s32 s17, s10;
	[sflag:s12] =	ssyncadd.s32 $0xFFFFC000  }
.Ltmp1:
0x36: {  	[bflag:$0x0] =	sbarrier.arrive $0xFFFF;
	(pc) =	sbr.rel @p0 .LBB2_1-.Ltmp1, $4  }
0x37: {  	[hbm:s9], [sflag:s6] =	dma.local [spmem:s11], $0x2800  }
0x38: {  	_ =	swait.ge [sflag:s12], $0x2800  }
0x39: {  	[sflag:s12] =	ssyncset.done $0x0  }
0x3a: {  	[sflag:s12] =	ssyncadd.s32 $0xFFFFD800  }
0x3b: {  	_ =	sfence.sel $0x180000  }
0x3c: {  	[bflag:$0x0] =	sbarrier.arrive $0xFFFF  }
0x3d: {  	p0 =	sne.s32 s0, $0x0;
	_ =	strace $0x90000050  }
0x3e: {  	s0 =	sadd.s32 @!p0 $0x100000, s1;
	[bflag:$0x2] =	sbarrier.arrive $0xFFFF  }
0x3f: {  	[sflag:s0] =	ssyncadd.tile.s32 @!p0 $0x1;
	_ =	shalt  }
.Lfunc_end2:
_tile_overlayer_lowered:
.L_overlay_start_2:
0x40: {  	(tag) =	ssettag $0x2  }
0x41: {  	s0 =	rddreg [dreg:$0x0];
	s2 =	stileid.u32  }
0x42: {  	s1 =	rddreg [dreg:$0x1];
	p0 =	sne.s32 s2, $0x0  }
0x43: {  	s3 =	rddreg [dreg:$0x2];
	[bflag:$0x3] =	sbarrier.arrive $0xFFFF;
	s2 =	simm.s32 @!p0 $0x1C02  }
0x44: {  	[timem:s3], [sflag:s2] =	dma.local @!p0 [hbm:s0], s1  }
0x45: {  	s0 =	simm.s32 @!p0 $0x2  }
0x46: {  	_ =	swait.ge @!p0 [sflag:s0], s1  }
0x47: {  	s1 =	ssub.s32 @!p0 $0x0, s1;
	[sflag:s0] =	ssyncset.done @!p0 $0x0  }
0x48: {  	[sflag:s0] =	ssyncadd.s32 @!p0 s1  }
0x49: {  	[bflag:$0x3] =	sbarrier.arrive $0xFFFF  }
0x4a: {  	_ =	shalt  }

// kernel: kernel.23.cloned.1.call-start
scs
__scs_entry_jumppad:
0x0: {  	(pc) =	sbr.rel $0x88, $3  }
0x1: {  	(tag) =	ssettag $0x0;
	lr =	simm.s32 $0x1  }
0x2: {  	[smem:$0x3F99] =	sst lr;
	_ =	strace $0xD0000000  }
0x3: {  	_ = 	snop  }
0x4: {  	_ = 	snop  }
0x5: {  	_ = 	snop  }
0x6: {  	_ = 	snop  }
0x7: {  	_ = 	snop  }
__scs_overlays_trampoline_lowered:
0x8: {  	[smem:$0x3FA8] =	sst s0  }
0x9: {  	[smem:$0x3FA9] =	sst s1  }
0xa: {  	[smem:$0x3FAA] =	sst s2  }
0xb: {  	[smem:$0x3FAB] =	sst s3  }
0xc: {  	[smem:$0x3FAC] =	sst s4  }
0xd: {  	[smem:$0x3FAD] =	sst s5  }
0xe: {  	[smem:$0x3FAE] =	sst s6  }
0xf: {  	[smem:$0x3FAF] =	sst s7  }
0x10: {  	[smem:$0x3FB0] =	sst s8  }
0x11: {  	[smem:$0x3FB1] =	sst s9;
	s0 =	simm.s32 @!p0 $0x0  }
0x12: {  	s1 =	sld [smem:$0x3F97];
	s0 =	simm.s32 @p0 $0x1  }
0x13: {  	[smem:$0x3FB2] =	sst s0;
	s0 =	simm.s32 @!p1 $0x0  }
0x14: {  	s2 =	sld [smem:$0x3F96];
	s0 =	simm.s32 @p1 $0x1  }
0x15: {  	[smem:$0x3FB3] =	sst s0;
	s0 =	simm.s32 @!p2 $0x0  }
0x16: {  	s3 =	sld [smem:$0x3FDB];
	s0 =	simm.s32 @p2 $0x1  }
0x17: {  	s4 =	simm.s32 $0x1BF5;
	[smem:$0x3FB5] =	sst s0  }
0x18: {  	s0 =	sld [smem:$0x3F98];
	_ =	swait.ge [sflag:s4], $0x0  }
0x19: {  	s7 =	sld [smem:$0x3F99]  }
0x1a: {  	s8 =	sadd.s32 $0xFFFFE003, lr  }
0x1b: {  	s9 =	sadd.s32 $0xFFFFFEF7, lr;
	s5 =	simm.s32 $0xFFFFFFFF;
	p2 =	slt.u32 s8, $0xFFFFF086  }
0x1c: {  	p1 =	slt.u32 s9, $0xF7A;
	s5 =	simm.s32 @!p2 $0x0  }
0x1d: {  	s5 =	simm.s32 @p1 $0x1;
	p0 =	seq.s32 s7, s2  }
0x1e: {  	s7 =	smul.u32 @!p0 $0xF7A, s2;
	p2 =	seq.s32 @!p0 s5, $0x0  }
0x1f: {  	s9 =	smul.u32 $0xF7A, s1;
	s8 =	simm.s32 @!p0 $0x1BF5;
	p2 =	por !p2, p0  }
0x20: {  	[sflag:s8] =	ssyncset.s32 @!p0 $0xFFFFF086;
	s6 =	sadd.s32 @!p0 s3, s7;
	s7 =	simm.s32 @!p0 $0x108  }
0x21: {  	s3 =	sadd.s32 s3, s9;
	s6 =	sadd.s32 @!p0 $0x88, s6;
	s7 =	simm.s32 @p2 $0x1082  }
0x22: {  	[simem:s7], [sflag:s8] =	dma.local @!p0 [hbm:s6], $0xF7A  }
0x23: {  	s9 =	sor.u32 $0xD0000000, s2;
	s6 =	simm.s32 $0x108;
	_ =	swait.ge @!p0 [sflag:s8], $0x0  }
0x24: {  	s3 =	sadd.s32 $0x88, s3;
	s6 =	simm.s32 @!p1 $0x1082;
	[sflag:s4] =	ssyncset.s32 $0xFFFFF086  }
0x25: {  	[simem:s6], [sflag:s4] =	dma.local [hbm:s3], $0xF7A  }
0x26: {  	[smem:$0x3F99] =	sst s1;
	(tag) =	ssettag s2;
	_ =	strace s9  }
0x27: {  	s1 =	sld [smem:$0x3FA9]  }
0x28: {  	s2 =	sld [smem:$0x3FAA]  }
0x29: {  	s4 =	sld [smem:$0x3FAC]  }
0x2a: {  	p0 =	seq.s32 s5, $0x0;
	s5 =	sld [smem:$0x3FAD]  }
0x2b: {  	s6 =	sld [smem:$0x3FAE]  }
0x2c: {  	s7 =	sld [smem:$0x3FAF]  }
0x2d: {  	s3 =	simm.s32 $0x108;
	s8 =	sld [smem:$0x3FB0]  }
0x2e: {  	s3 =	simm.s32 @!p0 $0x1082;
	s9 =	sld [smem:$0x3FB1]  }
0x2f: {  	lr =	sadd.s32 s0, s3;
	s0 =	sld [smem:$0x3FA8]  }
0x30: {  	s3 =	sld [smem:$0x3FAB]  }
0x31: {  	[smem:$0x3FB4] =	sst s10  }
0x32: {  	s10 =	sld [smem:$0x3FB2];
	_ =	sdelay $0x3  }
0x33: {  	p0 =	seq.s32 s10, $0x1;
	s10 =	sld [smem:$0x3FB4];
	_ =	sdelay $0x3  }
0x34: {  	[smem:$0x3FB4] =	sst s10  }
0x35: {  	s10 =	sld [smem:$0x3FB3];
	_ =	sdelay $0x3  }
0x36: {  	p1 =	seq.s32 s10, $0x1;
	s10 =	sld [smem:$0x3FB4];
	_ =	sdelay $0x3  }
0x37: {  	[smem:$0x3FB4] =	sst s10  }
0x38: {  	s10 =	sld [smem:$0x3FB5]  }
0x39: {  	_ = 	snop;
	(pc) =	sbr.ind lr, $3  }
0x3a: {  	_ = 	snop  }
0x3b: {  	_ = 	snop  }
0x3c: {  	p2 =	seq.s32 s10, $0x1;
	s10 =	sld [smem:$0x3FB4]  }
0x3d: {  	_ =	shalt  }
0x3e: {  	_ =	shalt  }
0x3f: {  	_ =	shalt  }
0x40: {  	_ =	shalt  }
0x41: {  	_ =	shalt  }
0x42: {  	_ =	shalt  }
0x43: {  	_ =	shalt  }
0x44: {  	_ =	shalt  }
0x45: {  	_ =	shalt  }
0x46: {  	_ =	shalt  }
0x47: {  	_ =	shalt  }
0x48: {  	_ =	shalt  }
0x49: {  	_ =	shalt  }
0x4a: {  	_ =	shalt  }
0x4b: {  	_ =	shalt  }
0x4c: {  	_ =	shalt  }
0x4d: {  	_ =	shalt  }
0x4e: {  	_ =	shalt  }
0x4f: {  	_ =	shalt  }
0x50: {  	_ =	shalt  }
0x51: {  	_ =	shalt  }
0x52: {  	_ =	shalt  }
0x53: {  	_ =	shalt  }
0x54: {  	_ =	shalt  }
0x55: {  	_ =	shalt  }
0x56: {  	_ =	shalt  }
0x57: {  	_ =	shalt  }
0x58: {  	_ =	shalt  }
0x59: {  	_ =	shalt  }
0x5a: {  	_ =	shalt  }
0x5b: {  	_ =	shalt  }
0x5c: {  	_ =	shalt  }
0x5d: {  	_ =	shalt  }
0x5e: {  	_ =	shalt  }
0x5f: {  	_ =	shalt  }
0x60: {  	_ =	shalt  }
0x61: {  	_ =	shalt  }
0x62: {  	_ =	shalt  }
0x63: {  	_ =	shalt  }
0x64: {  	_ =	shalt  }
0x65: {  	_ =	shalt  }
0x66: {  	_ =	shalt  }
0x67: {  	_ =	shalt  }
0x68: {  	_ =	shalt  }
0x69: {  	_ =	shalt  }
0x6a: {  	_ =	shalt  }
0x6b: {  	_ =	shalt  }
0x6c: {  	_ =	shalt  }
0x6d: {  	_ =	shalt  }
0x6e: {  	_ =	shalt  }
0x6f: {  	_ =	shalt  }
0x70: {  	_ =	shalt  }
0x71: {  	_ =	shalt  }
0x72: {  	_ =	shalt  }
0x73: {  	_ =	shalt  }
0x74: {  	_ =	shalt  }
0x75: {  	_ =	shalt  }
0x76: {  	_ =	shalt  }
0x77: {  	_ =	shalt  }
0x78: {  	_ =	shalt  }
0x79: {  	_ =	shalt  }
0x7a: {  	_ =	shalt  }
0x7b: {  	_ =	shalt  }
0x7c: {  	_ =	shalt  }
0x7d: {  	_ =	shalt  }
0x7e: {  	_ =	shalt  }
0x7f: {  	_ =	shalt  }
0x80: {  	_ =	shalt  }
0x81: {  	_ =	shalt  }
0x82: {  	_ =	shalt  }
0x83: {  	_ =	shalt  }
0x84: {  	_ =	shalt  }
0x85: {  	_ =	shalt  }
0x86: {  	_ =	shalt  }
0x87: {  	_ =	shalt  }
.Lfunc_end0:
.L_simem_size_0:
called_computation.4_lowered:
.L_overlay_start_0:
0x88: {  	s2 =	sld [smem:$0x3FD9]  }
0x89: {  	s3 =	sld [smem:$0x3FFE];
	_ =	sdelay $0x1  }
0x8a: {  	s1 =	srdreg.scid  }
0x8b: {  	s0 =	sand.u32 $0x1, s1  }
0x8c: {  	s17 =	sshll.u32 s0, $0xA;
	s2 =	sadd.s32 s3, s2  }
0x8d: {  	s2 =	sadd.s32 s2, s17  }
0x8e: {  	[smem:$0x3FC0] =	sst s2  }
0x8f: {  	_ = 	snop  }
0x90: {  	s2 =	sld [smem:$0x3FD0];
	(tm) =	ssettm $0x1  }
0x91: {  	s18 =	sld [smem:$0x3FFB];
	_ =	sdelay $0x3  }
0x92: {  	_ =	strace s18  }
0x93: {  	s3 =	sld [smem:$0x3FFC];
	_ =	sdelay $0x3  }
0x94: {  	_ =	strace s3  }
0x95: {  	s3 =	sld [smem:$0x3FFD];
	_ =	sdelay $0x3  }
0x96: {  	_ =	strace s3  }
0x97: {  	_ =	strace $0x8FFFFFFF  }
0x98: {  	s19 =	sld [smem:$0x3FDB];
	_ =	sdelay $0x1  }
0x99: {  	s4 =	simm.s32 $_scs_section_size  }
0x9a: {  	s5 =	simm.s32 $_size__tile_overlayer_lowered;
	s6 =	simm.s32 $_tile_overlayer_lowered  }
0x9b: {  	s22 =	simm.s32 $0x1BFF;
	s21 =	sshll.u32 s6, $0x1;
	s3 =	sadd.s32 s4, s19  }
0x9c: {  	s7 =	simm.s32 $0x0;
	s20 =	sshll.u32 s5, $0x1;
	s5 =	sadd.s32 s21, s3  }
0x9d: {  	[timem:s7], [sflag:s22] =	dma.local [hbm:s5], s20  }
0x9e: {  	_ =	swait.ge [sflag:s22], s20  }
0x9f: {  	s4 =	ssub.s32 $0x0, s20;
	[sflag:s22] =	ssyncset.done $0x0  }
0xa0: {  	[sflag:s22] =	ssyncadd.s32 s4;
	_ =	sdelay $0x1  }
0xa1: {  	s23 =	simm.s32 $0x1B8B  }
0xa2: {  	_ =	swait.ge [sflag:s23], $0x1  }
0xa3: {  	[sflag:s23] =	ssyncset.done $0x0  }
0xa4: {  	s25 =	simm.s32 $0x1B8E;
	s24 =	sld [smem:$0x3FFE];
	[sflag:s23] =	ssyncadd.s32 $0xFFFFFFFF  }
0xa5: {  	s26 =	simm.s32 $execute0_lowered;
	[smem:$0x3FD2] =	sst s25  }
0xa6: {  	s5 =	sshll.u32 s26, $0x1;
	_ =	strace $0x80000052;
	[dreg:$0x1] =	wrdreg $0xFFFFFFFF  }
0xa7: {  	s28 =	simm.s32 $_size_execute0_lowered;
	s3 =	sadd.s32 s3, s5;
	[dreg:$0x0] =	wrdreg $0x0  }
0xa8: {  	s5 =	sshll.u32 s28, $0x1;
	[dreg:$0x2] =	wrdreg s3  }
0xa9: {  	[dreg:$0x3] =	wrdreg s5  }
0xaa: {  	[dreg:$0x4] =	wrdreg $0xC0  }
0xab: {  	_ =	task [dreg:s7], $0x5FFFF  }
0xac: {  	[dreg:$0x1] =	wrdreg $0xFFFFFFFF  }
0xad: {  	[dreg:$0x0] =	wrdreg $0x60  }
0xae: {  	[dreg:$0x2] =	wrdreg s24  }
0xaf: {  	[dreg:$0x3] =	wrdreg s2  }
0xb0: {  	[dreg:$0x4] =	wrdreg $0x90000  }
0xb1: {  	[dreg:$0x5] =	wrdreg $0x9  }
0xb2: {  	_ =	task.clear_ibuf [dreg:s7], $0x6FFFF;
	_ =	strace $0x90000052  }
0xb3: {  	s29 =	simm.s32 $0x9;
	_ =	strace $0x80000054  }
0xb4: {  	_ =	swait.ge [sflag:s29], $0x1  }
0xb5: {  	[sflag:s29] =	ssyncadd.s32 $0xFFFFFFFF  }
0xb6: {  	_ =	strace $0x90000054  }
0xb7: {  	_ =	sfence  }
0xb8: {  	s30 =	sld [smem:$0x0];
	_ =	sdelay $0x2  }
0xb9: {  	s31 =	sshll.u32 s1, $0xD;
	s1 =	sshrl.u32 s1, $0x2  }
0xba: {  	s3 =	sand.u32 $0x4000, s31;
	s1 =	sadd.s32 s1, s30  }
0xbb: {  	s0 =	sor.u32 s3, s0;
	s1 =	sshll.u32 s1, $0x11  }
0xbc: {  	s0 =	sor.u32 s1, s0  }
0xbd: {  	s0 =	sadd.s32 $0x8F2B, s0  }
0xbe: {  	[sflag:s0] =	ssyncadd.remote.s32 $0x1  }
0xbf: {  	_ =	sfence.sel $0xFFFF  }
0xc0: {  	[dreg:$0x0] =	wrdreg $0xFFFFFFFF;
	(pc) =	sbr.abs _section_cstart, $3  }
0xc1: {  	[dreg:$0x1] =	wrdreg $0xFFFFFFFF  }
0xc2: {  	_ =	task.clear_ibuf [dreg:s7], $0x2FFFF;
	_ =	strace $0x9FFFFFFF  }
0xc3: {  	(tm) =	ssettm $0x7FFFFFFF  }
tec
execute0_lowered:
.L_overlay_start_1:
0x0: {  	(tag) =	ssettag $0x1  }
0x1: {  	s5 =	rddreg [dreg:$0x0]  }
0x2: {  	s1 =	srdreg.scid;
	s8 =	rddreg [dreg:$0x1]  }
0x3: {  	s0 =	stileid.u32;
	s2 =	rddreg [dreg:$0x2];
	s3 =	simm.s32 $0x0  }
0x4: {  	s16 =	simm.s32 $0x1;
	s17 =	simm.s32 $0x0;
	s6 =	sand.u32 $0x1, s1  }
0x5: {  	s28 =	sshll.u32 s0, $0x1;
	s1 =	rddreg [dreg:$0x3];
	s7 =	smul.u32 $0x14000, s0  }
0x6: {  	[smem:$0x7FF] =	sst s3;
	s29 =	smul.u32 $0x50000, s0;
	s31 =	sshll.u32 s0, $0x6  }
0x7: {  	s4 =	sor.u32 s6, s28;
	_ =	strace $0x80000053;
	s10 =	smul.u32 $0x140000, s6  }
0x8: {  	s6 =	ssub.s32 $0x2, s6;
	s9 =	smul.u32 $0x500, s4;
	s4 =	sadd.s32 $0x36000, s5  }
0x9: {  	s12 =	sshrl.u32 s7, $0x3;
	s13 =	sshrl.u32 s6, $0x1;
	s30 =	sshrl.u32 s29, $0x2  }
0xa: {  	s7 =	sadd.s32 s7, s10;
	s12 =	sadd.s32 s12, s5;
	s13 =	ssub.s32 s6, s13  }
0xb: {  	s15 =	sadd.s32 s30, s2;
	s6 =	sor.u32 $0x1C02, s31;
	s11 =	sadd.s32 s9, s5  }
0xc: {  	s7 =	sshrl.u32 s7, $0x3;
	s8 =	sadd.s32 s8, s9;
	s10 =	smax.u32 s13, $0x1  }
0xd: {  	s13 =	simm.s32 $0x2800;
	s14 =	sadd.s32 s7, s5;
	s5 =	sadd.s32 $0xE000, s12  }
0xe: {  	s7 =	sadd.s32 $0x4000, s11;
	s11 =	sshrl.u32 s15, $0x3;
	s12 =	simm.s32 $0x2  }
0xf: {  	s15 =	simm.s32 $0x5000;
	s9 =	sadd.s32 $0xAE000, s14;
	s14 =	simm.s32 $0x80  }
.LBB2_1:
0x10: {  	[spmem:s11], [sflag:s6] =	dma.local [hbm:s5], $0x2800  }
0x11: {  	_ =	swait.ge [sflag:s12], $0x2800  }
0x12: {  	[sflag:s12] =	ssyncset.done $0x0  }
0x13: {  	[sflag:s12] =	ssyncadd.s32 $0xFFFFD800  }
0x14: {  	[tilespmem:s3], [sflag:$0x2] =	stream.linear.gather [hbm4b:s7+s3], $0x2780, $0x38;
	[tilespmem:$0x1D000] =	vst v63  }
0x15: {  	_ =	swait.ge [sflag:s12], $0x2780  }
0x16: {  	[sflag:s12] =	ssyncset.done $0x0  }
0x17: {  	[sflag:s12] =	ssyncadd.s32 $0xFFFFD880  }
0x18: {  	[tilespmem:s13], [sflag:$0x2] =	stream.linear.gather [hbm4b:s8+s3], $0x2780, $0x38;
	[tilespmem:$0x1D000] =	vst v63  }
0x19: {  	_ =	swait.ge [sflag:s12], $0x2780  }
0x1a: {  	[sflag:s12] =	ssyncset.done $0x0  }
0x1b: {  	[sflag:s12] =	ssyncadd.s32 $0xFFFFD880  }
0x1c: {  	s18 =	simm.s32 $0x0;
	[bflag:$0x0] =	sbarrier.arrive $0xFFFF  }
0x1d: {  	[tilespmem:s15], [sflag:$0x1] =	stream.indirect.gather [hbm4b:s4+s14], $0x80, s18, s14, $0xb8;
	[tilespmem:$0x1D000] =	vst v63  }
0x1e: {  	_ =	swait.ge [sflag:s16], $0x4000  }
0x1f: {  	[sflag:s16] =	ssyncset.done $0x0  }
0x20: {  	s31 =	simm.s32 $0x2800;
	[sflag:s16] =	ssyncadd.s32 $0xFFFFC000  }
0x21: {  	[spmem:s2] =	stream.indirect.scatter.add.f32 [tilespmem:s15], [sflag:$0x2], $0x80, s31, s14, $0xb8;
	[tilespmem:$0x1D000] =	vst v63  }
0x22: {  	_ =	swait.ge [sflag:s12], $0x4000  }
0x23: {  	s19 =	simm.s32 $0x400;
	s18 =	simm.s32 $0x200;
	[sflag:s12] =	ssyncset.done $0x0  }
.LBB2_2:
0x24: {  	s20 =	sshra.s32 s18, $0x2  }
0x25: {  	[sflag:s12] =	ssyncadd.s32 $0xFFFFC000;
	s18 =	smov.u32 s19;
	s21 =	sadd.s32 $0x200, s19  }
0x26: {  	[tilespmem:s15], [sflag:$0x1] =	stream.indirect.gather [hbm4b:s4+s14], $0x80, s20, s14, $0xb8;
	[tilespmem:$0x1D000] =	vst v63  }
0x27: {  	p0 =	sne.s32 s19, $0x9C00;
	_ =	swait.ge [sflag:s16], $0x4000  }
.Ltmp0:
0x28: {  	[sflag:s16] =	ssyncset.done $0x0;
	(pc) =	sbr.rel @p0 .LBB2_2-.Ltmp0, $4  }
0x29: {  	s19 =	sadd.s32 $0x2800, s20;
	[sflag:s16] =	ssyncadd.s32 $0xFFFFC000  }
0x2a: {  	[spmem:s2] =	stream.indirect.scatter.add.f32 [tilespmem:s15], [sflag:$0x2], $0x80, s19, s14, $0xb8;
	[tilespmem:$0x1D000] =	vst v63  }
0x2b: {  	_ =	swait.ge [sflag:s12], $0x4000  }
0x2c: {  	s19 =	smov.u32 s21;
	[sflag:s12] =	ssyncset.done $0x0  }
0x2d: {  	s18 =	sshra.s32 s18, $0x2;
	[sflag:s12] =	ssyncadd.s32 $0xFFFFC000  }
0x2e: {  	[tilespmem:s15], [sflag:$0x1] =	stream.indirect.gather [hbm4b:s4+s14], $0x80, s18, s14, $0xb8;
	[tilespmem:$0x1D000] =	vst v63  }
0x2f: {  	_ =	swait.ge [sflag:s16], $0x4000  }
0x30: {  	[sflag:s16] =	ssyncset.done $0x0  }
0x31: {  	s18 =	sadd.s32 $0x2800, s18;
	[sflag:s16] =	ssyncadd.s32 $0xFFFFC000  }
0x32: {  	[spmem:s2] =	stream.indirect.scatter.add.f32 [tilespmem:s15], [sflag:$0x2], $0x80, s18, s14, $0xb8;
	[tilespmem:$0x1D000] =	vst v63  }
0x33: {  	_ =	swait.ge [sflag:s12], $0x4000  }
0x34: {  	s17 =	sadd.s32 $0x1, s17;
	[sflag:s12] =	ssyncset.done $0x0  }
0x35: {  	p0 =	sne.s32 s17, s10;
	[sflag:s12] =	ssyncadd.s32 $0xFFFFC000  }
.Ltmp1:
0x36: {  	[bflag:$0x0] =	sbarrier.arrive $0xFFFF;
	(pc) =	sbr.rel @p0 .LBB2_1-.Ltmp1, $4  }
0x37: {  	[hbm:s9], [sflag:s6] =	dma.local [spmem:s11], $0x2800  }
0x38: {  	_ =	swait.ge [sflag:s12], $0x2800  }
0x39: {  	[sflag:s12] =	ssyncset.done $0x0  }
0x3a: {  	[sflag:s12] =	ssyncadd.s32 $0xFFFFD800  }
0x3b: {  	_ =	sfence.sel $0x180000  }
0x3c: {  	[bflag:$0x0] =	sbarrier.arrive $0xFFFF  }
0x3d: {  	p0 =	sne.s32 s0, $0x0;
	_ =	strace $0x90000053  }
0x3e: {  	s0 =	sadd.s32 @!p0 $0x100000, s1;
	[bflag:$0x2] =	sbarrier.arrive $0xFFFF  }
0x3f: {  	[sflag:s0] =	ssyncadd.tile.s32 @!p0 $0x1;
	_ =	shalt  }
.Lfunc_end2:
_tile_overlayer_lowered:
.L_overlay_start_2:
0x40: {  	(tag) =	ssettag $0x2  }
0x41: {  	s0 =	rddreg [dreg:$0x0];
	s2 =	stileid.u32  }
0x42: {  	s1 =	rddreg [dreg:$0x1];
	p0 =	sne.s32 s2, $0x0  }
0x43: {  	s3 =	rddreg [dreg:$0x2];
	[bflag:$0x3] =	sbarrier.arrive $0xFFFF;
	s2 =	simm.s32 @!p0 $0x1C02  }
0x44: {  	[timem:s3], [sflag:s2] =	dma.local @!p0 [hbm:s0], s1  }
0x45: {  	s0 =	simm.s32 @!p0 $0x2  }
0x46: {  	_ =	swait.ge @!p0 [sflag:s0], s1  }
0x47: {  	s1 =	ssub.s32 @!p0 $0x0, s1;
	[sflag:s0] =	ssyncset.done @!p0 $0x0  }
0x48: {  	[sflag:s0] =	ssyncadd.s32 @!p0 s1  }
0x49: {  	[bflag:$0x3] =	sbarrier.arrive $0xFFFF  }
0x4a: {  	_ =	shalt  }

</sc_bundles>
